<compile_context>
chip_gen: v7x
topology: tpu7x:2x2x1
jax: 0.10.2.dev20260603
libtpu: 0.0.44.dev20260713+nightly
codegen_flags: <defaults>
</compile_context>

<pallas_src>
import functools

import jax
import jax.numpy as jnp
from jax import lax
from jax.experimental import pallas as pl
from jax.experimental.pallas import tpu as pltpu
from jax.experimental.pallas import tpu_sc as plsc

B, S = 4096, 200
NUM_ROWS = B * S
DIM = 64
PDIM = 128
NW = 32
RPW = NUM_ROWS // NW
CHUNK = 320
CHUNKS = RPW // CHUNK
NG = CHUNK // 128


def _make_kernel():
    info = plsc.get_sparse_core_info()
    nc = info.num_cores
    mesh = plsc.VectorSubcoreMesh(core_axis_name="c", subcore_axis_name="s")

    @functools.partial(
        pl.kernel,
        out_type=jax.ShapeDtypeStruct((NUM_ROWS, PDIM), jnp.float32),
        mesh=mesh,
        scratch_types=[
            pltpu.VMEM((RPW,), jnp.int32),
            pltpu.VMEM((2, CHUNK, PDIM), jnp.float32),
            pltpu.SemaphoreType.DMA,
            pltpu.SemaphoreType.DMA,
            pltpu.SemaphoreType.DMA,
            pltpu.SemaphoreType.DMA,
            pltpu.SemaphoreType.DMA,
        ],
        compiler_params=pltpu.CompilerParams(use_tc_tiling_on_sc=True),
    )
    def body(xf_hbm, table_hbm, out_hbm, idx_v, rows_v, isem, g0, g1, s0, s1):
        wid = lax.axis_index("s") * nc + lax.axis_index("c")
        base = wid * RPW
        gsem = (g0, g1)
        ssem = (s0, s1)

        pltpu.async_copy(xf_hbm.at[pl.ds(base, RPW)], idx_v, isem).wait()

        def g_pairs(slot, chunk):
            off = 0
            for glen in (128, 128, 64):
                src = table_hbm.at[idx_v.at[pl.ds(chunk * CHUNK + off, glen)]]
                dst = rows_v.at[slot].at[pl.ds(off, glen)]
                off += glen
                yield src, dst

        def fire(slot, chunk):
            for src, dst in g_pairs(slot, chunk):
                pltpu.async_copy(src, dst, gsem[slot])

        def wait_gathers(slot, chunk):
            for src, dst in g_pairs(slot, chunk):
                pltpu.make_async_copy(src, dst, gsem[slot]).wait()

        def s_pair(slot, chunk):
            src = rows_v.at[slot]
            dst = out_hbm.at[pl.ds(base + chunk * CHUNK, CHUNK)]
            return src, dst

        def store(slot, chunk):
            src, dst = s_pair(slot, chunk)
            pltpu.async_copy(src, dst, ssem[slot])

        def wait_store(slot, chunk):
            src, dst = s_pair(slot, chunk)
            pltpu.make_async_copy(src, dst, ssem[slot]).wait()

        fire(0, 0)
        fire(1, 1)
        wait_gathers(0, 0)
        store(0, 0)

        @pl.loop(0, CHUNKS // 2 - 1)
        def _(k):
            c1 = 2 * k + 1
            wait_store(0, c1 - 1)
            fire(0, c1 + 1)
            wait_gathers(1, c1)
            store(1, c1)

            c2 = 2 * k + 2
            wait_store(1, c2 - 1)
            fire(1, c2 + 1)
            wait_gathers(0, c2)
            store(0, c2)

        wait_store(0, CHUNKS - 2)
        wait_gathers(1, CHUNKS - 1)
        store(1, CHUNKS - 1)
        wait_store(1, CHUNKS - 1)

    return body


_gather = _make_kernel()


@jax.jit
def kernel(x, weight):
    xf = x.reshape(-1).astype(jnp.int32)
    wp = jnp.pad(weight, ((0, 0), (0, PDIM - DIM)))
    out = _gather(xf, wp)
    return out[:, :DIM].reshape(B, S, DIM)

# --- scband reference (transcript-rebuilt; emitter-appended) ---
"""Pipeline reference for scband-embedding-layer-norm-46402826666243 (READ-ONLY COPY).

The authoritative reference and input builder live on the scoring server;
editing this copy changes nothing except your own understanding.
"""

import jax, jax.numpy as jnp
import numpy as np

NUM_EMBEDDINGS = 1000000
EMBEDDING_DIM = 64

def setup_inputs(seed: int = 0) -> dict:
    key = jax.random.key(seed)
    k1, k2 = jax.random.split(key)
    x = jax.random.randint(k1, (4096, 200), 0, NUM_EMBEDDINGS, dtype=jnp.int64 if jax.config.jax_enable_x64 else jnp.int32)
    weight = jax.random.normal(k2, (NUM_EMBEDDINGS, EMBEDDING_DIM), dtype=jnp.float32)
    return {"x": x, "weight": weight}

def reference(x, weight):
    # nn.Embedding forward: gather rows of the table by index
    return jnp.take(weight, x, axis=0)

if __name__ == "__main__":
    import jax
    _d = setup_inputs()
    print(jax.jit(kernel)(*tuple(_d.values())))

</pallas_src>

<mosaic_0001>
#map = affine_map<(d0, d1) -> (0)>
#map1 = affine_map<(d0, d1) -> (0, 0)>
module attributes {stable_mosaic.version = 14 : i64} {
  func.func @body(%arg0: i32, %arg1: i32, %arg2: memref<819200xi32, #tpu.memory_space<hbm>>, %arg3: memref<1000000x128xf32, #tpu.memory_space<hbm>>, %arg4: memref<819200x128xf32, #tpu.memory_space<hbm>>, %arg5: memref<25600xi32, #tpu.memory_space<vmem>>, %arg6: memref<2x320x128xf32, #tpu.memory_space<vmem>>, %arg7: memref<!tpu.dma_semaphore, #tpu.memory_space<semaphore_mem>>, %arg8: memref<!tpu.dma_semaphore, #tpu.memory_space<semaphore_mem>>, %arg9: memref<!tpu.dma_semaphore, #tpu.memory_space<semaphore_mem>>, %arg10: memref<!tpu.dma_semaphore, #tpu.memory_space<semaphore_mem>>, %arg11: memref<!tpu.dma_semaphore, #tpu.memory_space<semaphore_mem>>) attributes {dimension_semantics = [#tpu.dimension_semantics<core_parallel>, #tpu.dimension_semantics<subcore_parallel>], iteration_bounds = array<i64: 2, 16>, scalar_prefetch = 0 : i64, scratch_operands = 7 : i64, tpu.core_type = #tpu.core_type<sc_vector_subcore>, window_params = [{transform_indices = #map}, {transform_indices = #map1}, {transform_indices = #map1}]} {
    %mul3A = arith.constant 2 : i32
    %mul3A_0 = arith.muli %arg1, %mul3A : i32
    %add3A = arith.addi %mul3A_0, %arg0 : i32
    %mul3A_1 = arith.constant 25600 : i32
    %mul3A_2 = arith.muli %add3A, %mul3A_1 : i32
    %dma_start3A = tpu.memref_slice %arg2[%mul3A_2] : memref<819200xi32, #tpu.memory_space<hbm>> -> memref<25600xi32, #tpu.memory_space<hbm>>
    %dma_start3A_3 = tpu.memref_slice %arg2[%mul3A_2] : memref<819200xi32, #tpu.memory_space<hbm>> -> memref<25600xi32, #tpu.memory_space<hbm>>
    tpu.enqueue_dma source(%dma_start3A_3 : memref<25600xi32, #tpu.memory_space<hbm>>) target(%arg5 : memref<25600xi32, #tpu.memory_space<vmem>>) target_semaphore(%arg7 : memref<!tpu.dma_semaphore, #tpu.memory_space<semaphore_mem>>)
    %dma_wait3A = tpu.memref_slice %arg2[%mul3A_2] : memref<819200xi32, #tpu.memory_space<hbm>> -> memref<25600xi32, #tpu.memory_space<hbm>>
    %dma_wait3A_4 = tpu.memref_slice %arg2[%mul3A_2] : memref<819200xi32, #tpu.memory_space<hbm>> -> memref<25600xi32, #tpu.memory_space<hbm>>
    tpu.wait_dma2 semaphore(%arg7 : memref<!tpu.dma_semaphore, #tpu.memory_space<semaphore_mem>>) src(%dma_wait3A_4 : memref<25600xi32, #tpu.memory_space<hbm>>) dst(%arg5 : memref<25600xi32, #tpu.memory_space<vmem>>)
    %dma_start3A_5 = arith.constant 0 : i32
    %dma_start3A_6 = arith.constant 0 : i32
    %dma_start3A_7 = arith.constant 0 : i32
    %dma_start3A_8 = tpu.memref_slice %arg6[%dma_start3A_5, %dma_start3A_6, %dma_start3A_7] : memref<2x320x128xf32, #tpu.memory_space<vmem>> -> memref<1x320x128xf32, #tpu.memory_space<vmem>>
    %dma_start3A_9 = tpu.memref_squeeze %dma_start3A_8 : memref<1x320x128xf32, #tpu.memory_space<vmem>> -> memref<320x128xf32, #tpu.memory_space<vmem>>
    %dma_start3A_10 = arith.constant 0 : i32
    %dma_start3A_11 = arith.constant 0 : i32
    %dma_start3A_12 = tpu.memref_slice %dma_start3A_9[%dma_start3A_10, %dma_start3A_11] : memref<320x128xf32, #tpu.memory_space<vmem>> -> memref<128x128xf32, #tpu.memory_space<vmem>>
    %dma_start3A_13 = arith.constant 0 : i32
    %dma_start3A_14 = tpu.memref_slice %arg5[%dma_start3A_13] : memref<25600xi32, #tpu.memory_space<vmem>> -> memref<128xi32, #tpu.memory_space<vmem>>
    %dma_start3A_15 = arith.constant 0 : i32
    %dma_start3A_16 = arith.constant 0 : i32
    %dma_start3A_17 = tpu.memref_slice %arg3[%dma_start3A_15, %dma_start3A_16] : memref<1000000x128xf32, #tpu.memory_space<hbm>> -> memref<1000000x128xf32, #tpu.memory_space<hbm>>
    tpu.enqueue_indirect_dma source(%dma_start3A_17 : memref<1000000x128xf32, #tpu.memory_space<hbm>>) target(%dma_start3A_12 : memref<128x128xf32, #tpu.memory_space<vmem>>) offsets(%dma_start3A_14 : memref<128xi32, #tpu.memory_space<vmem>>) semaphore(%arg8 : memref<!tpu.dma_semaphore, #tpu.memory_space<semaphore_mem>>)
    %dma_start3A_18 = arith.constant 0 : i32
    %dma_start3A_19 = arith.constant 0 : i32
    %dma_start3A_20 = arith.constant 0 : i32
    %dma_start3A_21 = tpu.memref_slice %arg6[%dma_start3A_18, %dma_start3A_19, %dma_start3A_20] : memref<2x320x128xf32, #tpu.memory_space<vmem>> -> memref<1x320x128xf32, #tpu.memory_space<vmem>>
    %dma_start3A_22 = tpu.memref_squeeze %dma_start3A_21 : memref<1x320x128xf32, #tpu.memory_space<vmem>> -> memref<320x128xf32, #tpu.memory_space<vmem>>
    %dma_start3A_23 = arith.constant 128 : i32
    %dma_start3A_24 = arith.constant 0 : i32
    %dma_start3A_25 = tpu.memref_slice %dma_start3A_22[%dma_start3A_23, %dma_start3A_24] : memref<320x128xf32, #tpu.memory_space<vmem>> -> memref<128x128xf32, #tpu.memory_space<vmem>>
    %dma_start3A_26 = arith.constant 128 : i32
    %dma_start3A_27 = tpu.memref_slice %arg5[%dma_start3A_26] : memref<25600xi32, #tpu.memory_space<vmem>> -> memref<128xi32, #tpu.memory_space<vmem>>
    %dma_start3A_28 = arith.constant 0 : i32
    %dma_start3A_29 = arith.constant 0 : i32
    %dma_start3A_30 = tpu.memref_slice %arg3[%dma_start3A_28, %dma_start3A_29] : memref<1000000x128xf32, #tpu.memory_space<hbm>> -> memref<1000000x128xf32, #tpu.memory_space<hbm>>
    tpu.enqueue_indirect_dma source(%dma_start3A_30 : memref<1000000x128xf32, #tpu.memory_space<hbm>>) target(%dma_start3A_25 : memref<128x128xf32, #tpu.memory_space<vmem>>) offsets(%dma_start3A_27 : memref<128xi32, #tpu.memory_space<vmem>>) semaphore(%arg8 : memref<!tpu.dma_semaphore, #tpu.memory_space<semaphore_mem>>)
    %dma_start3A_31 = arith.constant 0 : i32
    %dma_start3A_32 = arith.constant 0 : i32
    %dma_start3A_33 = arith.constant 0 : i32
    %dma_start3A_34 = tpu.memref_slice %arg6[%dma_start3A_31, %dma_start3A_32, %dma_start3A_33] : memref<2x320x128xf32, #tpu.memory_space<vmem>> -> memref<1x320x128xf32, #tpu.memory_space<vmem>>
    %dma_start3A_35 = tpu.memref_squeeze %dma_start3A_34 : memref<1x320x128xf32, #tpu.memory_space<vmem>> -> memref<320x128xf32, #tpu.memory_space<vmem>>
    %dma_start3A_36 = arith.constant 256 : i32
    %dma_start3A_37 = arith.constant 0 : i32
    %dma_start3A_38 = tpu.memref_slice %dma_start3A_35[%dma_start3A_36, %dma_start3A_37] : memref<320x128xf32, #tpu.memory_space<vmem>> -> memref<64x128xf32, #tpu.memory_space<vmem>>
    %dma_start3A_39 = arith.constant 256 : i32
    %dma_start3A_40 = tpu.memref_slice %arg5[%dma_start3A_39] : memref<25600xi32, #tpu.memory_space<vmem>> -> memref<64xi32, #tpu.memory_space<vmem>>
    %dma_start3A_41 = arith.constant 0 : i32
    %dma_start3A_42 = arith.constant 0 : i32
    %dma_start3A_43 = tpu.memref_slice %arg3[%dma_start3A_41, %dma_start3A_42] : memref<1000000x128xf32, #tpu.memory_space<hbm>> -> memref<1000000x128xf32, #tpu.memory_space<hbm>>
    tpu.enqueue_indirect_dma source(%dma_start3A_43 : memref<1000000x128xf32, #tpu.memory_space<hbm>>) target(%dma_start3A_38 : memref<64x128xf32, #tpu.memory_space<vmem>>) offsets(%dma_start3A_40 : memref<64xi32, #tpu.memory_space<vmem>>) semaphore(%arg8 : memref<!tpu.dma_semaphore, #tpu.memory_space<semaphore_mem>>)
    %dma_start3A_44 = arith.constant 1 : i32
    %dma_start3A_45 = arith.constant 0 : i32
    %dma_start3A_46 = arith.constant 0 : i32
    %dma_start3A_47 = tpu.memref_slice %arg6[%dma_start3A_44, %dma_start3A_45, %dma_start3A_46] : memref<2x320x128xf32, #tpu.memory_space<vmem>> -> memref<1x320x128xf32, #tpu.memory_space<vmem>>
    %dma_start3A_48 = tpu.memref_squeeze %dma_start3A_47 : memref<1x320x128xf32, #tpu.memory_space<vmem>> -> memref<320x128xf32, #tpu.memory_space<vmem>>
    %dma_start3A_49 = arith.constant 0 : i32
    %dma_start3A_50 = arith.constant 0 : i32
    %dma_start3A_51 = tpu.memref_slice %dma_start3A_48[%dma_start3A_49, %dma_start3A_50] : memref<320x128xf32, #tpu.memory_space<vmem>> -> memref<128x128xf32, #tpu.memory_space<vmem>>
    %dma_start3A_52 = arith.constant 320 : i32
    %dma_start3A_53 = tpu.memref_slice %arg5[%dma_start3A_52] : memref<25600xi32, #tpu.memory_space<vmem>> -> memref<128xi32, #tpu.memory_space<vmem>>
    %dma_start3A_54 = arith.constant 0 : i32
    %dma_start3A_55 = arith.constant 0 : i32
    %dma_start3A_56 = tpu.memref_slice %arg3[%dma_start3A_54, %dma_start3A_55] : memref<1000000x128xf32, #tpu.memory_space<hbm>> -> memref<1000000x128xf32, #tpu.memory_space<hbm>>
    tpu.enqueue_indirect_dma source(%dma_start3A_56 : memref<1000000x128xf32, #tpu.memory_space<hbm>>) target(%dma_start3A_51 : memref<128x128xf32, #tpu.memory_space<vmem>>) offsets(%dma_start3A_53 : memref<128xi32, #tpu.memory_space<vmem>>) semaphore(%arg9 : memref<!tpu.dma_semaphore, #tpu.memory_space<semaphore_mem>>)
    %dma_start3A_57 = arith.constant 1 : i32
    %dma_start3A_58 = arith.constant 0 : i32
    %dma_start3A_59 = arith.constant 0 : i32
    %dma_start3A_60 = tpu.memref_slice %arg6[%dma_start3A_57, %dma_start3A_58, %dma_start3A_59] : memref<2x320x128xf32, #tpu.memory_space<vmem>> -> memref<1x320x128xf32, #tpu.memory_space<vmem>>
    %dma_start3A_61 = tpu.memref_squeeze %dma_start3A_60 : memref<1x320x128xf32, #tpu.memory_space<vmem>> -> memref<320x128xf32, #tpu.memory_space<vmem>>
    %dma_start3A_62 = arith.constant 128 : i32
    %dma_start3A_63 = arith.constant 0 : i32
    %dma_start3A_64 = tpu.memref_slice %dma_start3A_61[%dma_start3A_62, %dma_start3A_63] : memref<320x128xf32, #tpu.memory_space<vmem>> -> memref<128x128xf32, #tpu.memory_space<vmem>>
    %dma_start3A_65 = arith.constant 448 : i32
    %dma_start3A_66 = tpu.memref_slice %arg5[%dma_start3A_65] : memref<25600xi32, #tpu.memory_space<vmem>> -> memref<128xi32, #tpu.memory_space<vmem>>
    %dma_start3A_67 = arith.constant 0 : i32
    %dma_start3A_68 = arith.constant 0 : i32
    %dma_start3A_69 = tpu.memref_slice %arg3[%dma_start3A_67, %dma_start3A_68] : memref<1000000x128xf32, #tpu.memory_space<hbm>> -> memref<1000000x128xf32, #tpu.memory_space<hbm>>
    tpu.enqueue_indirect_dma source(%dma_start3A_69 : memref<1000000x128xf32, #tpu.memory_space<hbm>>) target(%dma_start3A_64 : memref<128x128xf32, #tpu.memory_space<vmem>>) offsets(%dma_start3A_66 : memref<128xi32, #tpu.memory_space<vmem>>) semaphore(%arg9 : memref<!tpu.dma_semaphore, #tpu.memory_space<semaphore_mem>>)
    %dma_start3A_70 = arith.constant 1 : i32
    %dma_start3A_71 = arith.constant 0 : i32
    %dma_start3A_72 = arith.constant 0 : i32
    %dma_start3A_73 = tpu.memref_slice %arg6[%dma_start3A_70, %dma_start3A_71, %dma_start3A_72] : memref<2x320x128xf32, #tpu.memory_space<vmem>> -> memref<1x320x128xf32, #tpu.memory_space<vmem>>
    %dma_start3A_74 = tpu.memref_squeeze %dma_start3A_73 : memref<1x320x128xf32, #tpu.memory_space<vmem>> -> memref<320x128xf32, #tpu.memory_space<vmem>>
    %dma_start3A_75 = arith.constant 256 : i32
    %dma_start3A_76 = arith.constant 0 : i32
    %dma_start3A_77 = tpu.memref_slice %dma_start3A_74[%dma_start3A_75, %dma_start3A_76] : memref<320x128xf32, #tpu.memory_space<vmem>> -> memref<64x128xf32, #tpu.memory_space<vmem>>
    %dma_start3A_78 = arith.constant 576 : i32
    %dma_start3A_79 = tpu.memref_slice %arg5[%dma_start3A_78] : memref<25600xi32, #tpu.memory_space<vmem>> -> memref<64xi32, #tpu.memory_space<vmem>>
    %dma_start3A_80 = arith.constant 0 : i32
    %dma_start3A_81 = arith.constant 0 : i32
    %dma_start3A_82 = tpu.memref_slice %arg3[%dma_start3A_80, %dma_start3A_81] : memref<1000000x128xf32, #tpu.memory_space<hbm>> -> memref<1000000x128xf32, #tpu.memory_space<hbm>>
    tpu.enqueue_indirect_dma source(%dma_start3A_82 : memref<1000000x128xf32, #tpu.memory_space<hbm>>) target(%dma_start3A_77 : memref<64x128xf32, #tpu.memory_space<vmem>>) offsets(%dma_start3A_79 : memref<64xi32, #tpu.memory_space<vmem>>) semaphore(%arg9 : memref<!tpu.dma_semaphore, #tpu.memory_space<semaphore_mem>>)
    %dma_wait3A_83 = arith.constant 0 : i32
    %dma_wait3A_84 = arith.constant 0 : i32
    %dma_wait3A_85 = arith.constant 0 : i32
    %dma_wait3A_86 = tpu.memref_slice %arg6[%dma_wait3A_83, %dma_wait3A_84, %dma_wait3A_85] : memref<2x320x128xf32, #tpu.memory_space<vmem>> -> memref<1x320x128xf32, #tpu.memory_space<vmem>>
    %dma_wait3A_87 = tpu.memref_squeeze %dma_wait3A_86 : memref<1x320x128xf32, #tpu.memory_space<vmem>> -> memref<320x128xf32, #tpu.memory_space<vmem>>
    %dma_wait3A_88 = arith.constant 0 : i32
    %dma_wait3A_89 = arith.constant 0 : i32
    %dma_wait3A_90 = tpu.memref_slice %dma_wait3A_87[%dma_wait3A_88, %dma_wait3A_89] : memref<320x128xf32, #tpu.memory_space<vmem>> -> memref<128x128xf32, #tpu.memory_space<vmem>>
    %dma_wait3A_91 = arith.constant 0 : i32
    %dma_wait3A_92 = tpu.memref_slice %arg5[%dma_wait3A_91] : memref<25600xi32, #tpu.memory_space<vmem>> -> memref<128xi32, #tpu.memory_space<vmem>>
    %dma_wait3A_93 = arith.constant 0 : i32
    %dma_wait3A_94 = arith.constant 0 : i32
    %dma_wait3A_95 = tpu.memref_slice %arg3[%dma_wait3A_93, %dma_wait3A_94] : memref<1000000x128xf32, #tpu.memory_space<hbm>> -> memref<1000000x128xf32, #tpu.memory_space<hbm>>
    tpu.wait_indirect_dma semaphore(%arg8 : memref<!tpu.dma_semaphore, #tpu.memory_space<semaphore_mem>>) src(%dma_wait3A_95 : memref<1000000x128xf32, #tpu.memory_space<hbm>>) dst(%dma_wait3A_90 : memref<128x128xf32, #tpu.memory_space<vmem>>)
    %dma_wait3A_96 = arith.constant 0 : i32
    %dma_wait3A_97 = arith.constant 0 : i32
    %dma_wait3A_98 = arith.constant 0 : i32
    %dma_wait3A_99 = tpu.memref_slice %arg6[%dma_wait3A_96, %dma_wait3A_97, %dma_wait3A_98] : memref<2x320x128xf32, #tpu.memory_space<vmem>> -> memref<1x320x128xf32, #tpu.memory_space<vmem>>
    %dma_wait3A_100 = tpu.memref_squeeze %dma_wait3A_99 : memref<1x320x128xf32, #tpu.memory_space<vmem>> -> memref<320x128xf32, #tpu.memory_space<vmem>>
    %dma_wait3A_101 = arith.constant 128 : i32
    %dma_wait3A_102 = arith.constant 0 : i32
    %dma_wait3A_103 = tpu.memref_slice %dma_wait3A_100[%dma_wait3A_101, %dma_wait3A_102] : memref<320x128xf32, #tpu.memory_space<vmem>> -> memref<128x128xf32, #tpu.memory_space<vmem>>
    %dma_wait3A_104 = arith.constant 128 : i32
    %dma_wait3A_105 = tpu.memref_slice %arg5[%dma_wait3A_104] : memref<25600xi32, #tpu.memory_space<vmem>> -> memref<128xi32, #tpu.memory_space<vmem>>
    %dma_wait3A_106 = arith.constant 0 : i32
    %dma_wait3A_107 = arith.constant 0 : i32
    %dma_wait3A_108 = tpu.memref_slice %arg3[%dma_wait3A_106, %dma_wait3A_107] : memref<1000000x128xf32, #tpu.memory_space<hbm>> -> memref<1000000x128xf32, #tpu.memory_space<hbm>>
    tpu.wait_indirect_dma semaphore(%arg8 : memref<!tpu.dma_semaphore, #tpu.memory_space<semaphore_mem>>) src(%dma_wait3A_108 : memref<1000000x128xf32, #tpu.memory_space<hbm>>) dst(%dma_wait3A_103 : memref<128x128xf32, #tpu.memory_space<vmem>>)
    %dma_wait3A_109 = arith.constant 0 : i32
    %dma_wait3A_110 = arith.constant 0 : i32
    %dma_wait3A_111 = arith.constant 0 : i32
    %dma_wait3A_112 = tpu.memref_slice %arg6[%dma_wait3A_109, %dma_wait3A_110, %dma_wait3A_111] : memref<2x320x128xf32, #tpu.memory_space<vmem>> -> memref<1x320x128xf32, #tpu.memory_space<vmem>>
    %dma_wait3A_113 = tpu.memref_squeeze %dma_wait3A_112 : memref<1x320x128xf32, #tpu.memory_space<vmem>> -> memref<320x128xf32, #tpu.memory_space<vmem>>
    %dma_wait3A_114 = arith.constant 256 : i32
    %dma_wait3A_115 = arith.constant 0 : i32
    %dma_wait3A_116 = tpu.memref_slice %dma_wait3A_113[%dma_wait3A_114, %dma_wait3A_115] : memref<320x128xf32, #tpu.memory_space<vmem>> -> memref<64x128xf32, #tpu.memory_space<vmem>>
    %dma_wait3A_117 = arith.constant 256 : i32
    %dma_wait3A_118 = tpu.memref_slice %arg5[%dma_wait3A_117] : memref<25600xi32, #tpu.memory_space<vmem>> -> memref<64xi32, #tpu.memory_space<vmem>>
    %dma_wait3A_119 = arith.constant 0 : i32
    %dma_wait3A_120 = arith.constant 0 : i32
    %dma_wait3A_121 = tpu.memref_slice %arg3[%dma_wait3A_119, %dma_wait3A_120] : memref<1000000x128xf32, #tpu.memory_space<hbm>> -> memref<1000000x128xf32, #tpu.memory_space<hbm>>
    tpu.wait_indirect_dma semaphore(%arg8 : memref<!tpu.dma_semaphore, #tpu.memory_space<semaphore_mem>>) src(%dma_wait3A_121 : memref<1000000x128xf32, #tpu.memory_space<hbm>>) dst(%dma_wait3A_116 : memref<64x128xf32, #tpu.memory_space<vmem>>)
    %add3A_122 = arith.constant 0 : i32
    %add3A_123 = arith.addi %mul3A_2, %add3A_122 : i32
    %dma_start3A_124 = arith.constant 0 : i32
    %dma_start3A_125 = arith.constant 0 : i32
    %dma_start3A_126 = arith.constant 0 : i32
    %dma_start3A_127 = tpu.memref_slice %arg6[%dma_start3A_124, %dma_start3A_125, %dma_start3A_126] : memref<2x320x128xf32, #tpu.memory_space<vmem>> -> memref<1x320x128xf32, #tpu.memory_space<vmem>>
    %dma_start3A_128 = tpu.memref_squeeze %dma_start3A_127 : memref<1x320x128xf32, #tpu.memory_space<vmem>> -> memref<320x128xf32, #tpu.memory_space<vmem>>
    %dma_start3A_129 = arith.constant 0 : i32
    %dma_start3A_130 = tpu.memref_slice %arg4[%add3A_123, %dma_start3A_129] : memref<819200x128xf32, #tpu.memory_space<hbm>> -> memref<320x128xf32, #tpu.memory_space<hbm>>
    %dma_start3A_131 = arith.constant 0 : i32
    %dma_start3A_132 = tpu.memref_slice %arg4[%add3A_123, %dma_start3A_131] : memref<819200x128xf32, #tpu.memory_space<hbm>> -> memref<320x128xf32, #tpu.memory_space<hbm>>
    %dma_start3A_133 = arith.constant 0 : i32
    %dma_start3A_134 = arith.constant 0 : i32
    %dma_start3A_135 = tpu.memref_slice %arg6[%dma_start3A_124, %dma_start3A_133, %dma_start3A_134] : memref<2x320x128xf32, #tpu.memory_space<vmem>> -> memref<1x320x128xf32, #tpu.memory_space<vmem>>
    %dma_start3A_136 = tpu.memref_squeeze %dma_start3A_135 : memref<1x320x128xf32, #tpu.memory_space<vmem>> -> memref<320x128xf32, #tpu.memory_space<vmem>>
    tpu.enqueue_dma source(%dma_start3A_136 : memref<320x128xf32, #tpu.memory_space<vmem>>) target(%dma_start3A_132 : memref<320x128xf32, #tpu.memory_space<hbm>>) target_semaphore(%arg10 : memref<!tpu.dma_semaphore, #tpu.memory_space<semaphore_mem>>)
    %scan3A = arith.constant 0 : i32
    %scan3A_137 = arith.constant 39 : i32
    %scan3A_138 = arith.addi %scan3A, %scan3A_137 : i32
    %scan3A_139 = arith.constant 1 : i32
    scf.for %scan3A_225 = %scan3A to %scan3A_138 step %scan3A_139  : i32 {
      %mul3A_226 = arith.constant 1 : i32
      %mul3A_227 = arith.muli %scan3A_225, %mul3A_226 : i32
      %add3A_228 = arith.constant 0 : i32
      %add3A_229 = arith.addi %add3A_228, %mul3A_227 : i32
      %mul3A_230 = arith.constant 2 : i32
      %mul3A_231 = arith.muli %mul3A_230, %add3A_229 : i32
      %add3A_232 = arith.constant 1 : i32
      %add3A_233 = arith.addi %mul3A_231, %add3A_232 : i32
      %sub3A = arith.constant 1 : i32
      %sub3A_234 = arith.subi %add3A_233, %sub3A : i32
      %mul3A_235 = arith.constant 320 : i32
      %mul3A_236 = arith.muli %sub3A_234, %mul3A_235 : i32
      %add3A_237 = arith.addi %mul3A_2, %mul3A_236 : i32
      %dma_wait3A_238 = arith.constant 0 : i32
      %dma_wait3A_239 = arith.constant 0 : i32
      %dma_wait3A_240 = arith.constant 0 : i32
      %dma_wait3A_241 = tpu.memref_slice %arg6[%dma_wait3A_238, %dma_wait3A_239, %dma_wait3A_240] : memref<2x320x128xf32, #tpu.memory_space<vmem>> -> memref<1x320x128xf32, #tpu.memory_space<vmem>>
      %dma_wait3A_242 = tpu.memref_squeeze %dma_wait3A_241 : memref<1x320x128xf32, #tpu.memory_space<vmem>> -> memref<320x128xf32, #tpu.memory_space<vmem>>
      %dma_wait3A_243 = arith.constant 0 : i32
      %dma_wait3A_244 = tpu.memref_slice %arg4[%add3A_237, %dma_wait3A_243] : memref<819200x128xf32, #tpu.memory_space<hbm>> -> memref<320x128xf32, #tpu.memory_space<hbm>>
      %dma_wait3A_245 = arith.constant 0 : i32
      %dma_wait3A_246 = tpu.memref_slice %arg4[%add3A_237, %dma_wait3A_245] : memref<819200x128xf32, #tpu.memory_space<hbm>> -> memref<320x128xf32, #tpu.memory_space<hbm>>
      %dma_wait3A_247 = arith.constant 0 : i32
      %dma_wait3A_248 = arith.constant 0 : i32
      %dma_wait3A_249 = tpu.memref_slice %arg6[%dma_wait3A_238, %dma_wait3A_247, %dma_wait3A_248] : memref<2x320x128xf32, #tpu.memory_space<vmem>> -> memref<1x320x128xf32, #tpu.memory_space<vmem>>
      %dma_wait3A_250 = tpu.memref_squeeze %dma_wait3A_249 : memref<1x320x128xf32, #tpu.memory_space<vmem>> -> memref<320x128xf32, #tpu.memory_space<vmem>>
      tpu.wait_dma2 semaphore(%arg10 : memref<!tpu.dma_semaphore, #tpu.memory_space<semaphore_mem>>) src(%dma_wait3A_250 : memref<320x128xf32, #tpu.memory_space<vmem>>) dst(%dma_wait3A_246 : memref<320x128xf32, #tpu.memory_space<hbm>>)
      %add3A_251 = arith.constant 1 : i32
      %add3A_252 = arith.addi %add3A_233, %add3A_251 : i32
      %mul3A_253 = arith.constant 320 : i32
      %mul3A_254 = arith.muli %add3A_252, %mul3A_253 : i32
      %add3A_255 = arith.constant 0 : i32
      %add3A_256 = arith.addi %mul3A_254, %add3A_255 : i32
      %dma_start3A_257 = arith.constant 0 : i32
      %dma_start3A_258 = arith.constant 0 : i32
      %dma_start3A_259 = arith.constant 0 : i32
      %dma_start3A_260 = tpu.memref_slice %arg6[%dma_start3A_257, %dma_start3A_258, %dma_start3A_259] : memref<2x320x128xf32, #tpu.memory_space<vmem>> -> memref<1x320x128xf32, #tpu.memory_space<vmem>>
      %dma_start3A_261 = tpu.memref_squeeze %dma_start3A_260 : memref<1x320x128xf32, #tpu.memory_space<vmem>> -> memref<320x128xf32, #tpu.memory_space<vmem>>
      %dma_start3A_262 = arith.constant 0 : i32
      %dma_start3A_263 = arith.constant 0 : i32
      %dma_start3A_264 = tpu.memref_slice %dma_start3A_261[%dma_start3A_262, %dma_start3A_263] : memref<320x128xf32, #tpu.memory_space<vmem>> -> memref<128x128xf32, #tpu.memory_space<vmem>>
      %dma_start3A_265 = tpu.memref_slice %arg5[%add3A_256] : memref<25600xi32, #tpu.memory_space<vmem>> -> memref<128xi32, #tpu.memory_space<vmem>>
      %dma_start3A_266 = arith.constant 0 : i32
      %dma_start3A_267 = arith.constant 0 : i32
      %dma_start3A_268 = tpu.memref_slice %arg3[%dma_start3A_266, %dma_start3A_267] : memref<1000000x128xf32, #tpu.memory_space<hbm>> -> memref<1000000x128xf32, #tpu.memory_space<hbm>>
      tpu.enqueue_indirect_dma source(%dma_start3A_268 : memref<1000000x128xf32, #tpu.memory_space<hbm>>) target(%dma_start3A_264 : memref<128x128xf32, #tpu.memory_space<vmem>>) offsets(%dma_start3A_265 : memref<128xi32, #tpu.memory_space<vmem>>) semaphore(%arg8 : memref<!tpu.dma_semaphore, #tpu.memory_space<semaphore_mem>>)
      %mul3A_269 = arith.constant 320 : i32
      %mul3A_270 = arith.muli %add3A_252, %mul3A_269 : i32
      %add3A_271 = arith.constant 128 : i32
      %add3A_272 = arith.addi %mul3A_270, %add3A_271 : i32
      %dma_start3A_273 = arith.constant 0 : i32
      %dma_start3A_274 = arith.constant 0 : i32
      %dma_start3A_275 = arith.constant 0 : i32
      %dma_start3A_276 = tpu.memref_slice %arg6[%dma_start3A_273, %dma_start3A_274, %dma_start3A_275] : memref<2x320x128xf32, #tpu.memory_space<vmem>> -> memref<1x320x128xf32, #tpu.memory_space<vmem>>
      %dma_start3A_277 = tpu.memref_squeeze %dma_start3A_276 : memref<1x320x128xf32, #tpu.memory_space<vmem>> -> memref<320x128xf32, #tpu.memory_space<vmem>>
      %dma_start3A_278 = arith.constant 128 : i32
      %dma_start3A_279 = arith.constant 0 : i32
      %dma_start3A_280 = tpu.memref_slice %dma_start3A_277[%dma_start3A_278, %dma_start3A_279] : memref<320x128xf32, #tpu.memory_space<vmem>> -> memref<128x128xf32, #tpu.memory_space<vmem>>
      %dma_start3A_281 = tpu.memref_slice %arg5[%add3A_272] : memref<25600xi32, #tpu.memory_space<vmem>> -> memref<128xi32, #tpu.memory_space<vmem>>
      %dma_start3A_282 = arith.constant 0 : i32
      %dma_start3A_283 = arith.constant 0 : i32
      %dma_start3A_284 = tpu.memref_slice %arg3[%dma_start3A_282, %dma_start3A_283] : memref<1000000x128xf32, #tpu.memory_space<hbm>> -> memref<1000000x128xf32, #tpu.memory_space<hbm>>
      tpu.enqueue_indirect_dma source(%dma_start3A_284 : memref<1000000x128xf32, #tpu.memory_space<hbm>>) target(%dma_start3A_280 : memref<128x128xf32, #tpu.memory_space<vmem>>) offsets(%dma_start3A_281 : memref<128xi32, #tpu.memory_space<vmem>>) semaphore(%arg8 : memref<!tpu.dma_semaphore, #tpu.memory_space<semaphore_mem>>)
      %mul3A_285 = arith.constant 320 : i32
      %mul3A_286 = arith.muli %add3A_252, %mul3A_285 : i32
      %add3A_287 = arith.constant 256 : i32
      %add3A_288 = arith.addi %mul3A_286, %add3A_287 : i32
      %dma_start3A_289 = arith.constant 0 : i32
      %dma_start3A_290 = arith.constant 0 : i32
      %dma_start3A_291 = arith.constant 0 : i32
      %dma_start3A_292 = tpu.memref_slice %arg6[%dma_start3A_289, %dma_start3A_290, %dma_start3A_291] : memref<2x320x128xf32, #tpu.memory_space<vmem>> -> memref<1x320x128xf32, #tpu.memory_space<vmem>>
      %dma_start3A_293 = tpu.memref_squeeze %dma_start3A_292 : memref<1x320x128xf32, #tpu.memory_space<vmem>> -> memref<320x128xf32, #tpu.memory_space<vmem>>
      %dma_start3A_294 = arith.constant 256 : i32
      %dma_start3A_295 = arith.constant 0 : i32
      %dma_start3A_296 = tpu.memref_slice %dma_start3A_293[%dma_start3A_294, %dma_start3A_295] : memref<320x128xf32, #tpu.memory_space<vmem>> -> memref<64x128xf32, #tpu.memory_space<vmem>>
      %dma_start3A_297 = tpu.memref_slice %arg5[%add3A_288] : memref<25600xi32, #tpu.memory_space<vmem>> -> memref<64xi32, #tpu.memory_space<vmem>>
      %dma_start3A_298 = arith.constant 0 : i32
      %dma_start3A_299 = arith.constant 0 : i32
      %dma_start3A_300 = tpu.memref_slice %arg3[%dma_start3A_298, %dma_start3A_299] : memref<1000000x128xf32, #tpu.memory_space<hbm>> -> memref<1000000x128xf32, #tpu.memory_space<hbm>>
      tpu.enqueue_indirect_dma source(%dma_start3A_300 : memref<1000000x128xf32, #tpu.memory_space<hbm>>) target(%dma_start3A_296 : memref<64x128xf32, #tpu.memory_space<vmem>>) offsets(%dma_start3A_297 : memref<64xi32, #tpu.memory_space<vmem>>) semaphore(%arg8 : memref<!tpu.dma_semaphore, #tpu.memory_space<semaphore_mem>>)
      %mul3A_301 = arith.constant 320 : i32
      %mul3A_302 = arith.muli %add3A_233, %mul3A_301 : i32
      %add3A_303 = arith.constant 0 : i32
      %add3A_304 = arith.addi %mul3A_302, %add3A_303 : i32
      %dma_wait3A_305 = arith.constant 1 : i32
      %dma_wait3A_306 = arith.constant 0 : i32
      %dma_wait3A_307 = arith.constant 0 : i32
      %dma_wait3A_308 = tpu.memref_slice %arg6[%dma_wait3A_305, %dma_wait3A_306, %dma_wait3A_307] : memref<2x320x128xf32, #tpu.memory_space<vmem>> -> memref<1x320x128xf32, #tpu.memory_space<vmem>>
      %dma_wait3A_309 = tpu.memref_squeeze %dma_wait3A_308 : memref<1x320x128xf32, #tpu.memory_space<vmem>> -> memref<320x128xf32, #tpu.memory_space<vmem>>
      %dma_wait3A_310 = arith.constant 0 : i32
      %dma_wait3A_311 = arith.constant 0 : i32
      %dma_wait3A_312 = tpu.memref_slice %dma_wait3A_309[%dma_wait3A_310, %dma_wait3A_311] : memref<320x128xf32, #tpu.memory_space<vmem>> -> memref<128x128xf32, #tpu.memory_space<vmem>>
      %dma_wait3A_313 = tpu.memref_slice %arg5[%add3A_304] : memref<25600xi32, #tpu.memory_space<vmem>> -> memref<128xi32, #tpu.memory_space<vmem>>
      %dma_wait3A_314 = arith.constant 0 : i32
      %dma_wait3A_315 = arith.constant 0 : i32
      %dma_wait3A_316 = tpu.memref_slice %arg3[%dma_wait3A_314, %dma_wait3A_315] : memref<1000000x128xf32, #tpu.memory_space<hbm>> -> memref<1000000x128xf32, #tpu.memory_space<hbm>>
      tpu.wait_indirect_dma semaphore(%arg9 : memref<!tpu.dma_semaphore, #tpu.memory_space<semaphore_mem>>) src(%dma_wait3A_316 : memref<1000000x128xf32, #tpu.memory_space<hbm>>) dst(%dma_wait3A_312 : memref<128x128xf32, #tpu.memory_space<vmem>>)
      %mul3A_317 = arith.constant 320 : i32
      %mul3A_318 = arith.muli %add3A_233, %mul3A_317 : i32
      %add3A_319 = arith.constant 128 : i32
      %add3A_320 = arith.addi %mul3A_318, %add3A_319 : i32
      %dma_wait3A_321 = arith.constant 1 : i32
      %dma_wait3A_322 = arith.constant 0 : i32
      %dma_wait3A_323 = arith.constant 0 : i32
      %dma_wait3A_324 = tpu.memref_slice %arg6[%dma_wait3A_321, %dma_wait3A_322, %dma_wait3A_323] : memref<2x320x128xf32, #tpu.memory_space<vmem>> -> memref<1x320x128xf32, #tpu.memory_space<vmem>>
      %dma_wait3A_325 = tpu.memref_squeeze %dma_wait3A_324 : memref<1x320x128xf32, #tpu.memory_space<vmem>> -> memref<320x128xf32, #tpu.memory_space<vmem>>
      %dma_wait3A_326 = arith.constant 128 : i32
      %dma_wait3A_327 = arith.constant 0 : i32
      %dma_wait3A_328 = tpu.memref_slice %dma_wait3A_325[%dma_wait3A_326, %dma_wait3A_327] : memref<320x128xf32, #tpu.memory_space<vmem>> -> memref<128x128xf32, #tpu.memory_space<vmem>>
      %dma_wait3A_329 = tpu.memref_slice %arg5[%add3A_320] : memref<25600xi32, #tpu.memory_space<vmem>> -> memref<128xi32, #tpu.memory_space<vmem>>
      %dma_wait3A_330 = arith.constant 0 : i32
      %dma_wait3A_331 = arith.constant 0 : i32
      %dma_wait3A_332 = tpu.memref_slice %arg3[%dma_wait3A_330, %dma_wait3A_331] : memref<1000000x128xf32, #tpu.memory_space<hbm>> -> memref<1000000x128xf32, #tpu.memory_space<hbm>>
      tpu.wait_indirect_dma semaphore(%arg9 : memref<!tpu.dma_semaphore, #tpu.memory_space<semaphore_mem>>) src(%dma_wait3A_332 : memref<1000000x128xf32, #tpu.memory_space<hbm>>) dst(%dma_wait3A_328 : memref<128x128xf32, #tpu.memory_space<vmem>>)
      %mul3A_333 = arith.constant 320 : i32
      %mul3A_334 = arith.muli %add3A_233, %mul3A_333 : i32
      %add3A_335 = arith.constant 256 : i32
      %add3A_336 = arith.addi %mul3A_334, %add3A_335 : i32
      %dma_wait3A_337 = arith.constant 1 : i32
      %dma_wait3A_338 = arith.constant 0 : i32
      %dma_wait3A_339 = arith.constant 0 : i32
      %dma_wait3A_340 = tpu.memref_slice %arg6[%dma_wait3A_337, %dma_wait3A_338, %dma_wait3A_339] : memref<2x320x128xf32, #tpu.memory_space<vmem>> -> memref<1x320x128xf32, #tpu.memory_space<vmem>>
      %dma_wait3A_341 = tpu.memref_squeeze %dma_wait3A_340 : memref<1x320x128xf32, #tpu.memory_space<vmem>> -> memref<320x128xf32, #tpu.memory_space<vmem>>
      %dma_wait3A_342 = arith.constant 256 : i32
      %dma_wait3A_343 = arith.constant 0 : i32
      %dma_wait3A_344 = tpu.memref_slice %dma_wait3A_341[%dma_wait3A_342, %dma_wait3A_343] : memref<320x128xf32, #tpu.memory_space<vmem>> -> memref<64x128xf32, #tpu.memory_space<vmem>>
      %dma_wait3A_345 = tpu.memref_slice %arg5[%add3A_336] : memref<25600xi32, #tpu.memory_space<vmem>> -> memref<64xi32, #tpu.memory_space<vmem>>
      %dma_wait3A_346 = arith.constant 0 : i32
      %dma_wait3A_347 = arith.constant 0 : i32
      %dma_wait3A_348 = tpu.memref_slice %arg3[%dma_wait3A_346, %dma_wait3A_347] : memref<1000000x128xf32, #tpu.memory_space<hbm>> -> memref<1000000x128xf32, #tpu.memory_space<hbm>>
      tpu.wait_indirect_dma semaphore(%arg9 : memref<!tpu.dma_semaphore, #tpu.memory_space<semaphore_mem>>) src(%dma_wait3A_348 : memref<1000000x128xf32, #tpu.memory_space<hbm>>) dst(%dma_wait3A_344 : memref<64x128xf32, #tpu.memory_space<vmem>>)
      %mul3A_349 = arith.constant 320 : i32
      %mul3A_350 = arith.muli %add3A_233, %mul3A_349 : i32
      %add3A_351 = arith.addi %mul3A_2, %mul3A_350 : i32
      %dma_start3A_352 = arith.constant 1 : i32
      %dma_start3A_353 = arith.constant 0 : i32
      %dma_start3A_354 = arith.constant 0 : i32
      %dma_start3A_355 = tpu.memref_slice %arg6[%dma_start3A_352, %dma_start3A_353, %dma_start3A_354] : memref<2x320x128xf32, #tpu.memory_space<vmem>> -> memref<1x320x128xf32, #tpu.memory_space<vmem>>
      %dma_start3A_356 = tpu.memref_squeeze %dma_start3A_355 : memref<1x320x128xf32, #tpu.memory_space<vmem>> -> memref<320x128xf32, #tpu.memory_space<vmem>>
      %dma_start3A_357 = arith.constant 0 : i32
      %dma_start3A_358 = tpu.memref_slice %arg4[%add3A_351, %dma_start3A_357] : memref<819200x128xf32, #tpu.memory_space<hbm>> -> memref<320x128xf32, #tpu.memory_space<hbm>>
      %dma_start3A_359 = arith.constant 0 : i32
      %dma_start3A_360 = tpu.memref_slice %arg4[%add3A_351, %dma_start3A_359] : memref<819200x128xf32, #tpu.memory_space<hbm>> -> memref<320x128xf32, #tpu.memory_space<hbm>>
      %dma_start3A_361 = arith.constant 0 : i32
      %dma_start3A_362 = arith.constant 0 : i32
      %dma_start3A_363 = tpu.memref_slice %arg6[%dma_start3A_352, %dma_start3A_361, %dma_start3A_362] : memref<2x320x128xf32, #tpu.memory_space<vmem>> -> memref<1x320x128xf32, #tpu.memory_space<vmem>>
      %dma_start3A_364 = tpu.memref_squeeze %dma_start3A_363 : memref<1x320x128xf32, #tpu.memory_space<vmem>> -> memref<320x128xf32, #tpu.memory_space<vmem>>
      tpu.enqueue_dma source(%dma_start3A_364 : memref<320x128xf32, #tpu.memory_space<vmem>>) target(%dma_start3A_360 : memref<320x128xf32, #tpu.memory_space<hbm>>) target_semaphore(%arg11 : memref<!tpu.dma_semaphore, #tpu.memory_space<semaphore_mem>>)
      %mul3A_365 = arith.constant 2 : i32
      %mul3A_366 = arith.muli %mul3A_365, %add3A_229 : i32
      %add3A_367 = arith.constant 2 : i32
      %add3A_368 = arith.addi %mul3A_366, %add3A_367 : i32
      %sub3A_369 = arith.constant 1 : i32
      %sub3A_370 = arith.subi %add3A_368, %sub3A_369 : i32
      %mul3A_371 = arith.constant 320 : i32
      %mul3A_372 = arith.muli %sub3A_370, %mul3A_371 : i32
      %add3A_373 = arith.addi %mul3A_2, %mul3A_372 : i32
      %dma_wait3A_374 = arith.constant 1 : i32
      %dma_wait3A_375 = arith.constant 0 : i32
      %dma_wait3A_376 = arith.constant 0 : i32
      %dma_wait3A_377 = tpu.memref_slice %arg6[%dma_wait3A_374, %dma_wait3A_375, %dma_wait3A_376] : memref<2x320x128xf32, #tpu.memory_space<vmem>> -> memref<1x320x128xf32, #tpu.memory_space<vmem>>
      %dma_wait3A_378 = tpu.memref_squeeze %dma_wait3A_377 : memref<1x320x128xf32, #tpu.memory_space<vmem>> -> memref<320x128xf32, #tpu.memory_space<vmem>>
      %dma_wait3A_379 = arith.constant 0 : i32
      %dma_wait3A_380 = tpu.memref_slice %arg4[%add3A_373, %dma_wait3A_379] : memref<819200x128xf32, #tpu.memory_space<hbm>> -> memref<320x128xf32, #tpu.memory_space<hbm>>
      %dma_wait3A_381 = arith.constant 0 : i32
      %dma_wait3A_382 = tpu.memref_slice %arg4[%add3A_373, %dma_wait3A_381] : memref<819200x128xf32, #tpu.memory_space<hbm>> -> memref<320x128xf32, #tpu.memory_space<hbm>>
      %dma_wait3A_383 = arith.constant 0 : i32
      %dma_wait3A_384 = arith.constant 0 : i32
      %dma_wait3A_385 = tpu.memref_slice %arg6[%dma_wait3A_374, %dma_wait3A_383, %dma_wait3A_384] : memref<2x320x128xf32, #tpu.memory_space<vmem>> -> memref<1x320x128xf32, #tpu.memory_space<vmem>>
      %dma_wait3A_386 = tpu.memref_squeeze %dma_wait3A_385 : memref<1x320x128xf32, #tpu.memory_space<vmem>> -> memref<320x128xf32, #tpu.memory_space<vmem>>
      tpu.wait_dma2 semaphore(%arg11 : memref<!tpu.dma_semaphore, #tpu.memory_space<semaphore_mem>>) src(%dma_wait3A_386 : memref<320x128xf32, #tpu.memory_space<vmem>>) dst(%dma_wait3A_382 : memref<320x128xf32, #tpu.memory_space<hbm>>)
      %add3A_387 = arith.constant 1 : i32
      %add3A_388 = arith.addi %add3A_368, %add3A_387 : i32
      %mul3A_389 = arith.constant 320 : i32
      %mul3A_390 = arith.muli %add3A_388, %mul3A_389 : i32
      %add3A_391 = arith.constant 0 : i32
      %add3A_392 = arith.addi %mul3A_390, %add3A_391 : i32
      %dma_start3A_393 = arith.constant 1 : i32
      %dma_start3A_394 = arith.constant 0 : i32
      %dma_start3A_395 = arith.constant 0 : i32
      %dma_start3A_396 = tpu.memref_slice %arg6[%dma_start3A_393, %dma_start3A_394, %dma_start3A_395] : memref<2x320x128xf32, #tpu.memory_space<vmem>> -> memref<1x320x128xf32, #tpu.memory_space<vmem>>
      %dma_start3A_397 = tpu.memref_squeeze %dma_start3A_396 : memref<1x320x128xf32, #tpu.memory_space<vmem>> -> memref<320x128xf32, #tpu.memory_space<vmem>>
      %dma_start3A_398 = arith.constant 0 : i32
      %dma_start3A_399 = arith.constant 0 : i32
      %dma_start3A_400 = tpu.memref_slice %dma_start3A_397[%dma_start3A_398, %dma_start3A_399] : memref<320x128xf32, #tpu.memory_space<vmem>> -> memref<128x128xf32, #tpu.memory_space<vmem>>
      %dma_start3A_401 = tpu.memref_slice %arg5[%add3A_392] : memref<25600xi32, #tpu.memory_space<vmem>> -> memref<128xi32, #tpu.memory_space<vmem>>
      %dma_start3A_402 = arith.constant 0 : i32
      %dma_start3A_403 = arith.constant 0 : i32
      %dma_start3A_404 = tpu.memref_slice %arg3[%dma_start3A_402, %dma_start3A_403] : memref<1000000x128xf32, #tpu.memory_space<hbm>> -> memref<1000000x128xf32, #tpu.memory_space<hbm>>
      tpu.enqueue_indirect_dma source(%dma_start3A_404 : memref<1000000x128xf32, #tpu.memory_space<hbm>>) target(%dma_start3A_400 : memref<128x128xf32, #tpu.memory_space<vmem>>) offsets(%dma_start3A_401 : memref<128xi32, #tpu.memory_space<vmem>>) semaphore(%arg9 : memref<!tpu.dma_semaphore, #tpu.memory_space<semaphore_mem>>)
      %mul3A_405 = arith.constant 320 : i32
      %mul3A_406 = arith.muli %add3A_388, %mul3A_405 : i32
      %add3A_407 = arith.constant 128 : i32
      %add3A_408 = arith.addi %mul3A_406, %add3A_407 : i32
      %dma_start3A_409 = arith.constant 1 : i32
      %dma_start3A_410 = arith.constant 0 : i32
      %dma_start3A_411 = arith.constant 0 : i32
      %dma_start3A_412 = tpu.memref_slice %arg6[%dma_start3A_409, %dma_start3A_410, %dma_start3A_411] : memref<2x320x128xf32, #tpu.memory_space<vmem>> -> memref<1x320x128xf32, #tpu.memory_space<vmem>>
      %dma_start3A_413 = tpu.memref_squeeze %dma_start3A_412 : memref<1x320x128xf32, #tpu.memory_space<vmem>> -> memref<320x128xf32, #tpu.memory_space<vmem>>
      %dma_start3A_414 = arith.constant 128 : i32
      %dma_start3A_415 = arith.constant 0 : i32
      %dma_start3A_416 = tpu.memref_slice %dma_start3A_413[%dma_start3A_414, %dma_start3A_415] : memref<320x128xf32, #tpu.memory_space<vmem>> -> memref<128x128xf32, #tpu.memory_space<vmem>>
      %dma_start3A_417 = tpu.memref_slice %arg5[%add3A_408] : memref<25600xi32, #tpu.memory_space<vmem>> -> memref<128xi32, #tpu.memory_space<vmem>>
      %dma_start3A_418 = arith.constant 0 : i32
      %dma_start3A_419 = arith.constant 0 : i32
      %dma_start3A_420 = tpu.memref_slice %arg3[%dma_start3A_418, %dma_start3A_419] : memref<1000000x128xf32, #tpu.memory_space<hbm>> -> memref<1000000x128xf32, #tpu.memory_space<hbm>>
      tpu.enqueue_indirect_dma source(%dma_start3A_420 : memref<1000000x128xf32, #tpu.memory_space<hbm>>) target(%dma_start3A_416 : memref<128x128xf32, #tpu.memory_space<vmem>>) offsets(%dma_start3A_417 : memref<128xi32, #tpu.memory_space<vmem>>) semaphore(%arg9 : memref<!tpu.dma_semaphore, #tpu.memory_space<semaphore_mem>>)
      %mul3A_421 = arith.constant 320 : i32
      %mul3A_422 = arith.muli %add3A_388, %mul3A_421 : i32
      %add3A_423 = arith.constant 256 : i32
      %add3A_424 = arith.addi %mul3A_422, %add3A_423 : i32
      %dma_start3A_425 = arith.constant 1 : i32
      %dma_start3A_426 = arith.constant 0 : i32
      %dma_start3A_427 = arith.constant 0 : i32
      %dma_start3A_428 = tpu.memref_slice %arg6[%dma_start3A_425, %dma_start3A_426, %dma_start3A_427] : memref<2x320x128xf32, #tpu.memory_space<vmem>> -> memref<1x320x128xf32, #tpu.memory_space<vmem>>
      %dma_start3A_429 = tpu.memref_squeeze %dma_start3A_428 : memref<1x320x128xf32, #tpu.memory_space<vmem>> -> memref<320x128xf32, #tpu.memory_space<vmem>>
      %dma_start3A_430 = arith.constant 256 : i32
      %dma_start3A_431 = arith.constant 0 : i32
      %dma_start3A_432 = tpu.memref_slice %dma_start3A_429[%dma_start3A_430, %dma_start3A_431] : memref<320x128xf32, #tpu.memory_space<vmem>> -> memref<64x128xf32, #tpu.memory_space<vmem>>
      %dma_start3A_433 = tpu.memref_slice %arg5[%add3A_424] : memref<25600xi32, #tpu.memory_space<vmem>> -> memref<64xi32, #tpu.memory_space<vmem>>
      %dma_start3A_434 = arith.constant 0 : i32
      %dma_start3A_435 = arith.constant 0 : i32
      %dma_start3A_436 = tpu.memref_slice %arg3[%dma_start3A_434, %dma_start3A_435] : memref<1000000x128xf32, #tpu.memory_space<hbm>> -> memref<1000000x128xf32, #tpu.memory_space<hbm>>
      tpu.enqueue_indirect_dma source(%dma_start3A_436 : memref<1000000x128xf32, #tpu.memory_space<hbm>>) target(%dma_start3A_432 : memref<64x128xf32, #tpu.memory_space<vmem>>) offsets(%dma_start3A_433 : memref<64xi32, #tpu.memory_space<vmem>>) semaphore(%arg9 : memref<!tpu.dma_semaphore, #tpu.memory_space<semaphore_mem>>)
      %mul3A_437 = arith.constant 320 : i32
      %mul3A_438 = arith.muli %add3A_368, %mul3A_437 : i32
      %add3A_439 = arith.constant 0 : i32
      %add3A_440 = arith.addi %mul3A_438, %add3A_439 : i32
      %dma_wait3A_441 = arith.constant 0 : i32
      %dma_wait3A_442 = arith.constant 0 : i32
      %dma_wait3A_443 = arith.constant 0 : i32
      %dma_wait3A_444 = tpu.memref_slice %arg6[%dma_wait3A_441, %dma_wait3A_442, %dma_wait3A_443] : memref<2x320x128xf32, #tpu.memory_space<vmem>> -> memref<1x320x128xf32, #tpu.memory_space<vmem>>
      %dma_wait3A_445 = tpu.memref_squeeze %dma_wait3A_444 : memref<1x320x128xf32, #tpu.memory_space<vmem>> -> memref<320x128xf32, #tpu.memory_space<vmem>>
      %dma_wait3A_446 = arith.constant 0 : i32
      %dma_wait3A_447 = arith.constant 0 : i32
      %dma_wait3A_448 = tpu.memref_slice %dma_wait3A_445[%dma_wait3A_446, %dma_wait3A_447] : memref<320x128xf32, #tpu.memory_space<vmem>> -> memref<128x128xf32, #tpu.memory_space<vmem>>
      %dma_wait3A_449 = tpu.memref_slice %arg5[%add3A_440] : memref<25600xi32, #tpu.memory_space<vmem>> -> memref<128xi32, #tpu.memory_space<vmem>>
      %dma_wait3A_450 = arith.constant 0 : i32
      %dma_wait3A_451 = arith.constant 0 : i32
      %dma_wait3A_452 = tpu.memref_slice %arg3[%dma_wait3A_450, %dma_wait3A_451] : memref<1000000x128xf32, #tpu.memory_space<hbm>> -> memref<1000000x128xf32, #tpu.memory_space<hbm>>
      tpu.wait_indirect_dma semaphore(%arg8 : memref<!tpu.dma_semaphore, #tpu.memory_space<semaphore_mem>>) src(%dma_wait3A_452 : memref<1000000x128xf32, #tpu.memory_space<hbm>>) dst(%dma_wait3A_448 : memref<128x128xf32, #tpu.memory_space<vmem>>)
      %mul3A_453 = arith.constant 320 : i32
      %mul3A_454 = arith.muli %add3A_368, %mul3A_453 : i32
      %add3A_455 = arith.constant 128 : i32
      %add3A_456 = arith.addi %mul3A_454, %add3A_455 : i32
      %dma_wait3A_457 = arith.constant 0 : i32
      %dma_wait3A_458 = arith.constant 0 : i32
      %dma_wait3A_459 = arith.constant 0 : i32
      %dma_wait3A_460 = tpu.memref_slice %arg6[%dma_wait3A_457, %dma_wait3A_458, %dma_wait3A_459] : memref<2x320x128xf32, #tpu.memory_space<vmem>> -> memref<1x320x128xf32, #tpu.memory_space<vmem>>
      %dma_wait3A_461 = tpu.memref_squeeze %dma_wait3A_460 : memref<1x320x128xf32, #tpu.memory_space<vmem>> -> memref<320x128xf32, #tpu.memory_space<vmem>>
      %dma_wait3A_462 = arith.constant 128 : i32
      %dma_wait3A_463 = arith.constant 0 : i32
      %dma_wait3A_464 = tpu.memref_slice %dma_wait3A_461[%dma_wait3A_462, %dma_wait3A_463] : memref<320x128xf32, #tpu.memory_space<vmem>> -> memref<128x128xf32, #tpu.memory_space<vmem>>
      %dma_wait3A_465 = tpu.memref_slice %arg5[%add3A_456] : memref<25600xi32, #tpu.memory_space<vmem>> -> memref<128xi32, #tpu.memory_space<vmem>>
      %dma_wait3A_466 = arith.constant 0 : i32
      %dma_wait3A_467 = arith.constant 0 : i32
      %dma_wait3A_468 = tpu.memref_slice %arg3[%dma_wait3A_466, %dma_wait3A_467] : memref<1000000x128xf32, #tpu.memory_space<hbm>> -> memref<1000000x128xf32, #tpu.memory_space<hbm>>
      tpu.wait_indirect_dma semaphore(%arg8 : memref<!tpu.dma_semaphore, #tpu.memory_space<semaphore_mem>>) src(%dma_wait3A_468 : memref<1000000x128xf32, #tpu.memory_space<hbm>>) dst(%dma_wait3A_464 : memref<128x128xf32, #tpu.memory_space<vmem>>)
      %mul3A_469 = arith.constant 320 : i32
      %mul3A_470 = arith.muli %add3A_368, %mul3A_469 : i32
      %add3A_471 = arith.constant 256 : i32
      %add3A_472 = arith.addi %mul3A_470, %add3A_471 : i32
      %dma_wait3A_473 = arith.constant 0 : i32
      %dma_wait3A_474 = arith.constant 0 : i32
      %dma_wait3A_475 = arith.constant 0 : i32
      %dma_wait3A_476 = tpu.memref_slice %arg6[%dma_wait3A_473, %dma_wait3A_474, %dma_wait3A_475] : memref<2x320x128xf32, #tpu.memory_space<vmem>> -> memref<1x320x128xf32, #tpu.memory_space<vmem>>
      %dma_wait3A_477 = tpu.memref_squeeze %dma_wait3A_476 : memref<1x320x128xf32, #tpu.memory_space<vmem>> -> memref<320x128xf32, #tpu.memory_space<vmem>>
      %dma_wait3A_478 = arith.constant 256 : i32
      %dma_wait3A_479 = arith.constant 0 : i32
      %dma_wait3A_480 = tpu.memref_slice %dma_wait3A_477[%dma_wait3A_478, %dma_wait3A_479] : memref<320x128xf32, #tpu.memory_space<vmem>> -> memref<64x128xf32, #tpu.memory_space<vmem>>
      %dma_wait3A_481 = tpu.memref_slice %arg5[%add3A_472] : memref<25600xi32, #tpu.memory_space<vmem>> -> memref<64xi32, #tpu.memory_space<vmem>>
      %dma_wait3A_482 = arith.constant 0 : i32
      %dma_wait3A_483 = arith.constant 0 : i32
      %dma_wait3A_484 = tpu.memref_slice %arg3[%dma_wait3A_482, %dma_wait3A_483] : memref<1000000x128xf32, #tpu.memory_space<hbm>> -> memref<1000000x128xf32, #tpu.memory_space<hbm>>
      tpu.wait_indirect_dma semaphore(%arg8 : memref<!tpu.dma_semaphore, #tpu.memory_space<semaphore_mem>>) src(%dma_wait3A_484 : memref<1000000x128xf32, #tpu.memory_space<hbm>>) dst(%dma_wait3A_480 : memref<64x128xf32, #tpu.memory_space<vmem>>)
      %mul3A_485 = arith.constant 320 : i32
      %mul3A_486 = arith.muli %add3A_368, %mul3A_485 : i32
      %add3A_487 = arith.addi %mul3A_2, %mul3A_486 : i32
      %dma_start3A_488 = arith.constant 0 : i32
      %dma_start3A_489 = arith.constant 0 : i32
      %dma_start3A_490 = arith.constant 0 : i32
      %dma_start3A_491 = tpu.memref_slice %arg6[%dma_start3A_488, %dma_start3A_489, %dma_start3A_490] : memref<2x320x128xf32, #tpu.memory_space<vmem>> -> memref<1x320x128xf32, #tpu.memory_space<vmem>>
      %dma_start3A_492 = tpu.memref_squeeze %dma_start3A_491 : memref<1x320x128xf32, #tpu.memory_space<vmem>> -> memref<320x128xf32, #tpu.memory_space<vmem>>
      %dma_start3A_493 = arith.constant 0 : i32
      %dma_start3A_494 = tpu.memref_slice %arg4[%add3A_487, %dma_start3A_493] : memref<819200x128xf32, #tpu.memory_space<hbm>> -> memref<320x128xf32, #tpu.memory_space<hbm>>
      %dma_start3A_495 = arith.constant 0 : i32
      %dma_start3A_496 = tpu.memref_slice %arg4[%add3A_487, %dma_start3A_495] : memref<819200x128xf32, #tpu.memory_space<hbm>> -> memref<320x128xf32, #tpu.memory_space<hbm>>
      %dma_start3A_497 = arith.constant 0 : i32
      %dma_start3A_498 = arith.constant 0 : i32
      %dma_start3A_499 = tpu.memref_slice %arg6[%dma_start3A_488, %dma_start3A_497, %dma_start3A_498] : memref<2x320x128xf32, #tpu.memory_space<vmem>> -> memref<1x320x128xf32, #tpu.memory_space<vmem>>
      %dma_start3A_500 = tpu.memref_squeeze %dma_start3A_499 : memref<1x320x128xf32, #tpu.memory_space<vmem>> -> memref<320x128xf32, #tpu.memory_space<vmem>>
      tpu.enqueue_dma source(%dma_start3A_500 : memref<320x128xf32, #tpu.memory_space<vmem>>) target(%dma_start3A_496 : memref<320x128xf32, #tpu.memory_space<hbm>>) target_semaphore(%arg10 : memref<!tpu.dma_semaphore, #tpu.memory_space<semaphore_mem>>)
    }
    %scan3A_140 = arith.constant 39 : i32
    %add3A_141 = arith.constant 24960 : i32
    %add3A_142 = arith.addi %mul3A_2, %add3A_141 : i32
    %dma_wait3A_143 = arith.constant 0 : i32
    %dma_wait3A_144 = arith.constant 0 : i32
    %dma_wait3A_145 = arith.constant 0 : i32
    %dma_wait3A_146 = tpu.memref_slice %arg6[%dma_wait3A_143, %dma_wait3A_144, %dma_wait3A_145] : memref<2x320x128xf32, #tpu.memory_space<vmem>> -> memref<1x320x128xf32, #tpu.memory_space<vmem>>
    %dma_wait3A_147 = tpu.memref_squeeze %dma_wait3A_146 : memref<1x320x128xf32, #tpu.memory_space<vmem>> -> memref<320x128xf32, #tpu.memory_space<vmem>>
    %dma_wait3A_148 = arith.constant 0 : i32
    %dma_wait3A_149 = tpu.memref_slice %arg4[%add3A_142, %dma_wait3A_148] : memref<819200x128xf32, #tpu.memory_space<hbm>> -> memref<320x128xf32, #tpu.memory_space<hbm>>
    %dma_wait3A_150 = arith.constant 0 : i32
    %dma_wait3A_151 = tpu.memref_slice %arg4[%add3A_142, %dma_wait3A_150] : memref<819200x128xf32, #tpu.memory_space<hbm>> -> memref<320x128xf32, #tpu.memory_space<hbm>>
    %dma_wait3A_152 = arith.constant 0 : i32
    %dma_wait3A_153 = arith.constant 0 : i32
    %dma_wait3A_154 = tpu.memref_slice %arg6[%dma_wait3A_143, %dma_wait3A_152, %dma_wait3A_153] : memref<2x320x128xf32, #tpu.memory_space<vmem>> -> memref<1x320x128xf32, #tpu.memory_space<vmem>>
    %dma_wait3A_155 = tpu.memref_squeeze %dma_wait3A_154 : memref<1x320x128xf32, #tpu.memory_space<vmem>> -> memref<320x128xf32, #tpu.memory_space<vmem>>
    tpu.wait_dma2 semaphore(%arg10 : memref<!tpu.dma_semaphore, #tpu.memory_space<semaphore_mem>>) src(%dma_wait3A_155 : memref<320x128xf32, #tpu.memory_space<vmem>>) dst(%dma_wait3A_151 : memref<320x128xf32, #tpu.memory_space<hbm>>)
    %dma_wait3A_156 = arith.constant 1 : i32
    %dma_wait3A_157 = arith.constant 0 : i32
    %dma_wait3A_158 = arith.constant 0 : i32
    %dma_wait3A_159 = tpu.memref_slice %arg6[%dma_wait3A_156, %dma_wait3A_157, %dma_wait3A_158] : memref<2x320x128xf32, #tpu.memory_space<vmem>> -> memref<1x320x128xf32, #tpu.memory_space<vmem>>
    %dma_wait3A_160 = tpu.memref_squeeze %dma_wait3A_159 : memref<1x320x128xf32, #tpu.memory_space<vmem>> -> memref<320x128xf32, #tpu.memory_space<vmem>>
    %dma_wait3A_161 = arith.constant 0 : i32
    %dma_wait3A_162 = arith.constant 0 : i32
    %dma_wait3A_163 = tpu.memref_slice %dma_wait3A_160[%dma_wait3A_161, %dma_wait3A_162] : memref<320x128xf32, #tpu.memory_space<vmem>> -> memref<128x128xf32, #tpu.memory_space<vmem>>
    %dma_wait3A_164 = arith.constant 25280 : i32
    %dma_wait3A_165 = tpu.memref_slice %arg5[%dma_wait3A_164] : memref<25600xi32, #tpu.memory_space<vmem>> -> memref<128xi32, #tpu.memory_space<vmem>>
    %dma_wait3A_166 = arith.constant 0 : i32
    %dma_wait3A_167 = arith.constant 0 : i32
    %dma_wait3A_168 = tpu.memref_slice %arg3[%dma_wait3A_166, %dma_wait3A_167] : memref<1000000x128xf32, #tpu.memory_space<hbm>> -> memref<1000000x128xf32, #tpu.memory_space<hbm>>
    tpu.wait_indirect_dma semaphore(%arg9 : memref<!tpu.dma_semaphore, #tpu.memory_space<semaphore_mem>>) src(%dma_wait3A_168 : memref<1000000x128xf32, #tpu.memory_space<hbm>>) dst(%dma_wait3A_163 : memref<128x128xf32, #tpu.memory_space<vmem>>)
    %dma_wait3A_169 = arith.constant 1 : i32
    %dma_wait3A_170 = arith.constant 0 : i32
    %dma_wait3A_171 = arith.constant 0 : i32
    %dma_wait3A_172 = tpu.memref_slice %arg6[%dma_wait3A_169, %dma_wait3A_170, %dma_wait3A_171] : memref<2x320x128xf32, #tpu.memory_space<vmem>> -> memref<1x320x128xf32, #tpu.memory_space<vmem>>
    %dma_wait3A_173 = tpu.memref_squeeze %dma_wait3A_172 : memref<1x320x128xf32, #tpu.memory_space<vmem>> -> memref<320x128xf32, #tpu.memory_space<vmem>>
    %dma_wait3A_174 = arith.constant 128 : i32
    %dma_wait3A_175 = arith.constant 0 : i32
    %dma_wait3A_176 = tpu.memref_slice %dma_wait3A_173[%dma_wait3A_174, %dma_wait3A_175] : memref<320x128xf32, #tpu.memory_space<vmem>> -> memref<128x128xf32, #tpu.memory_space<vmem>>
    %dma_wait3A_177 = arith.constant 25408 : i32
    %dma_wait3A_178 = tpu.memref_slice %arg5[%dma_wait3A_177] : memref<25600xi32, #tpu.memory_space<vmem>> -> memref<128xi32, #tpu.memory_space<vmem>>
    %dma_wait3A_179 = arith.constant 0 : i32
    %dma_wait3A_180 = arith.constant 0 : i32
    %dma_wait3A_181 = tpu.memref_slice %arg3[%dma_wait3A_179, %dma_wait3A_180] : memref<1000000x128xf32, #tpu.memory_space<hbm>> -> memref<1000000x128xf32, #tpu.memory_space<hbm>>
    tpu.wait_indirect_dma semaphore(%arg9 : memref<!tpu.dma_semaphore, #tpu.memory_space<semaphore_mem>>) src(%dma_wait3A_181 : memref<1000000x128xf32, #tpu.memory_space<hbm>>) dst(%dma_wait3A_176 : memref<128x128xf32, #tpu.memory_space<vmem>>)
    %dma_wait3A_182 = arith.constant 1 : i32
    %dma_wait3A_183 = arith.constant 0 : i32
    %dma_wait3A_184 = arith.constant 0 : i32
    %dma_wait3A_185 = tpu.memref_slice %arg6[%dma_wait3A_182, %dma_wait3A_183, %dma_wait3A_184] : memref<2x320x128xf32, #tpu.memory_space<vmem>> -> memref<1x320x128xf32, #tpu.memory_space<vmem>>
    %dma_wait3A_186 = tpu.memref_squeeze %dma_wait3A_185 : memref<1x320x128xf32, #tpu.memory_space<vmem>> -> memref<320x128xf32, #tpu.memory_space<vmem>>
    %dma_wait3A_187 = arith.constant 256 : i32
    %dma_wait3A_188 = arith.constant 0 : i32
    %dma_wait3A_189 = tpu.memref_slice %dma_wait3A_186[%dma_wait3A_187, %dma_wait3A_188] : memref<320x128xf32, #tpu.memory_space<vmem>> -> memref<64x128xf32, #tpu.memory_space<vmem>>
    %dma_wait3A_190 = arith.constant 25536 : i32
    %dma_wait3A_191 = tpu.memref_slice %arg5[%dma_wait3A_190] : memref<25600xi32, #tpu.memory_space<vmem>> -> memref<64xi32, #tpu.memory_space<vmem>>
    %dma_wait3A_192 = arith.constant 0 : i32
    %dma_wait3A_193 = arith.constant 0 : i32
    %dma_wait3A_194 = tpu.memref_slice %arg3[%dma_wait3A_192, %dma_wait3A_193] : memref<1000000x128xf32, #tpu.memory_space<hbm>> -> memref<1000000x128xf32, #tpu.memory_space<hbm>>
    tpu.wait_indirect_dma semaphore(%arg9 : memref<!tpu.dma_semaphore, #tpu.memory_space<semaphore_mem>>) src(%dma_wait3A_194 : memref<1000000x128xf32, #tpu.memory_space<hbm>>) dst(%dma_wait3A_189 : memref<64x128xf32, #tpu.memory_space<vmem>>)
    %add3A_195 = arith.constant 25280 : i32
    %add3A_196 = arith.addi %mul3A_2, %add3A_195 : i32
    %dma_start3A_197 = arith.constant 1 : i32
    %dma_start3A_198 = arith.constant 0 : i32
    %dma_start3A_199 = arith.constant 0 : i32
    %dma_start3A_200 = tpu.memref_slice %arg6[%dma_start3A_197, %dma_start3A_198, %dma_start3A_199] : memref<2x320x128xf32, #tpu.memory_space<vmem>> -> memref<1x320x128xf32, #tpu.memory_space<vmem>>
    %dma_start3A_201 = tpu.memref_squeeze %dma_start3A_200 : memref<1x320x128xf32, #tpu.memory_space<vmem>> -> memref<320x128xf32, #tpu.memory_space<vmem>>
    %dma_start3A_202 = arith.constant 0 : i32
    %dma_start3A_203 = tpu.memref_slice %arg4[%add3A_196, %dma_start3A_202] : memref<819200x128xf32, #tpu.memory_space<hbm>> -> memref<320x128xf32, #tpu.memory_space<hbm>>
    %dma_start3A_204 = arith.constant 0 : i32
    %dma_start3A_205 = tpu.memref_slice %arg4[%add3A_196, %dma_start3A_204] : memref<819200x128xf32, #tpu.memory_space<hbm>> -> memref<320x128xf32, #tpu.memory_space<hbm>>
    %dma_start3A_206 = arith.constant 0 : i32
    %dma_start3A_207 = arith.constant 0 : i32
    %dma_start3A_208 = tpu.memref_slice %arg6[%dma_start3A_197, %dma_start3A_206, %dma_start3A_207] : memref<2x320x128xf32, #tpu.memory_space<vmem>> -> memref<1x320x128xf32, #tpu.memory_space<vmem>>
    %dma_start3A_209 = tpu.memref_squeeze %dma_start3A_208 : memref<1x320x128xf32, #tpu.memory_space<vmem>> -> memref<320x128xf32, #tpu.memory_space<vmem>>
    tpu.enqueue_dma source(%dma_start3A_209 : memref<320x128xf32, #tpu.memory_space<vmem>>) target(%dma_start3A_205 : memref<320x128xf32, #tpu.memory_space<hbm>>) target_semaphore(%arg11 : memref<!tpu.dma_semaphore, #tpu.memory_space<semaphore_mem>>)
    %add3A_210 = arith.constant 25280 : i32
    %add3A_211 = arith.addi %mul3A_2, %add3A_210 : i32
    %dma_wait3A_212 = arith.constant 1 : i32
    %dma_wait3A_213 = arith.constant 0 : i32
    %dma_wait3A_214 = arith.constant 0 : i32
    %dma_wait3A_215 = tpu.memref_slice %arg6[%dma_wait3A_212, %dma_wait3A_213, %dma_wait3A_214] : memref<2x320x128xf32, #tpu.memory_space<vmem>> -> memref<1x320x128xf32, #tpu.memory_space<vmem>>
    %dma_wait3A_216 = tpu.memref_squeeze %dma_wait3A_215 : memref<1x320x128xf32, #tpu.memory_space<vmem>> -> memref<320x128xf32, #tpu.memory_space<vmem>>
    %dma_wait3A_217 = arith.constant 0 : i32
    %dma_wait3A_218 = tpu.memref_slice %arg4[%add3A_211, %dma_wait3A_217] : memref<819200x128xf32, #tpu.memory_space<hbm>> -> memref<320x128xf32, #tpu.memory_space<hbm>>
    %dma_wait3A_219 = arith.constant 0 : i32
    %dma_wait3A_220 = tpu.memref_slice %arg4[%add3A_211, %dma_wait3A_219] : memref<819200x128xf32, #tpu.memory_space<hbm>> -> memref<320x128xf32, #tpu.memory_space<hbm>>
    %dma_wait3A_221 = arith.constant 0 : i32
    %dma_wait3A_222 = arith.constant 0 : i32
    %dma_wait3A_223 = tpu.memref_slice %arg6[%dma_wait3A_212, %dma_wait3A_221, %dma_wait3A_222] : memref<2x320x128xf32, #tpu.memory_space<vmem>> -> memref<1x320x128xf32, #tpu.memory_space<vmem>>
    %dma_wait3A_224 = tpu.memref_squeeze %dma_wait3A_223 : memref<1x320x128xf32, #tpu.memory_space<vmem>> -> memref<320x128xf32, #tpu.memory_space<vmem>>
    tpu.wait_dma2 semaphore(%arg11 : memref<!tpu.dma_semaphore, #tpu.memory_space<semaphore_mem>>) src(%dma_wait3A_224 : memref<320x128xf32, #tpu.memory_space<vmem>>) dst(%dma_wait3A_220 : memref<320x128xf32, #tpu.memory_space<hbm>>)
    return
  }
}

</mosaic_0001>

<sc_bundles>
// kernel: kernel.3.cloned.1.call-start
scs
__scs_entry_jumppad:
0x0: {  	(pc) =	sbr.rel $0x88, $3  }
0x1: {  	(tag) =	ssettag $0x0;
	lr =	simm.s32 $0x1  }
0x2: {  	[smem:$0x3F9F] =	sst lr;
	_ =	strace $0xD0000000  }
0x3: {  	_ = 	snop  }
0x4: {  	_ = 	snop  }
0x5: {  	_ = 	snop  }
0x6: {  	_ = 	snop  }
0x7: {  	_ = 	snop  }
__scs_overlays_trampoline_lowered:
0x8: {  	[smem:$0x3FAE] =	sst s0  }
0x9: {  	[smem:$0x3FAF] =	sst s1  }
0xa: {  	[smem:$0x3FB0] =	sst s2  }
0xb: {  	[smem:$0x3FB1] =	sst s3  }
0xc: {  	[smem:$0x3FB2] =	sst s4  }
0xd: {  	[smem:$0x3FB3] =	sst s5  }
0xe: {  	[smem:$0x3FB4] =	sst s6  }
0xf: {  	[smem:$0x3FB5] =	sst s7  }
0x10: {  	[smem:$0x3FB6] =	sst s8  }
0x11: {  	[smem:$0x3FB7] =	sst s9;
	s0 =	simm.s32 @!p0 $0x0  }
0x12: {  	s1 =	sld [smem:$0x3F9D];
	s0 =	simm.s32 @p0 $0x1  }
0x13: {  	[smem:$0x3FB8] =	sst s0;
	s0 =	simm.s32 @!p1 $0x0  }
0x14: {  	s2 =	sld [smem:$0x3F9C];
	s0 =	simm.s32 @p1 $0x1  }
0x15: {  	[smem:$0x3FB9] =	sst s0;
	s0 =	simm.s32 @!p2 $0x0  }
0x16: {  	s3 =	sld [smem:$0x3FDB];
	s0 =	simm.s32 @p2 $0x1  }
0x17: {  	s4 =	simm.s32 $0x1BF5;
	[smem:$0x3FBB] =	sst s0  }
0x18: {  	s0 =	sld [smem:$0x3F9E];
	_ =	swait.ge [sflag:s4], $0x0  }
0x19: {  	s7 =	sld [smem:$0x3F9F]  }
0x1a: {  	s8 =	sadd.s32 $0xFFFFE003, lr  }
0x1b: {  	s9 =	sadd.s32 $0xFFFFFEF7, lr;
	s5 =	simm.s32 $0xFFFFFFFF;
	p2 =	slt.u32 s8, $0xFFFFF086  }
0x1c: {  	p1 =	slt.u32 s9, $0xF7A;
	s5 =	simm.s32 @!p2 $0x0  }
0x1d: {  	s5 =	simm.s32 @p1 $0x1;
	p0 =	seq.s32 s7, s2  }
0x1e: {  	s7 =	smul.u32 @!p0 $0xF7A, s2;
	p2 =	seq.s32 @!p0 s5, $0x0  }
0x1f: {  	s9 =	smul.u32 $0xF7A, s1;
	s8 =	simm.s32 @!p0 $0x1BF5;
	p2 =	por !p2, p0  }
0x20: {  	[sflag:s8] =	ssyncset.s32 @!p0 $0xFFFFF086;
	s6 =	sadd.s32 @!p0 s3, s7;
	s7 =	simm.s32 @!p0 $0x108  }
0x21: {  	s3 =	sadd.s32 s3, s9;
	s6 =	sadd.s32 @!p0 $0x88, s6;
	s7 =	simm.s32 @p2 $0x1082  }
0x22: {  	[simem:s7], [sflag:s8] =	dma.local @!p0 [hbm:s6], $0xF7A  }
0x23: {  	s9 =	sor.u32 $0xD0000000, s2;
	s6 =	simm.s32 $0x108;
	_ =	swait.ge @!p0 [sflag:s8], $0x0  }
0x24: {  	s3 =	sadd.s32 $0x88, s3;
	s6 =	simm.s32 @!p1 $0x1082;
	[sflag:s4] =	ssyncset.s32 $0xFFFFF086  }
0x25: {  	[simem:s6], [sflag:s4] =	dma.local [hbm:s3], $0xF7A  }
0x26: {  	[smem:$0x3F9F] =	sst s1;
	(tag) =	ssettag s2;
	_ =	strace s9  }
0x27: {  	s1 =	sld [smem:$0x3FAF]  }
0x28: {  	s2 =	sld [smem:$0x3FB0]  }
0x29: {  	s4 =	sld [smem:$0x3FB2]  }
0x2a: {  	p0 =	seq.s32 s5, $0x0;
	s5 =	sld [smem:$0x3FB3]  }
0x2b: {  	s6 =	sld [smem:$0x3FB4]  }
0x2c: {  	s7 =	sld [smem:$0x3FB5]  }
0x2d: {  	s3 =	simm.s32 $0x108;
	s8 =	sld [smem:$0x3FB6]  }
0x2e: {  	s3 =	simm.s32 @!p0 $0x1082;
	s9 =	sld [smem:$0x3FB7]  }
0x2f: {  	lr =	sadd.s32 s0, s3;
	s0 =	sld [smem:$0x3FAE]  }
0x30: {  	s3 =	sld [smem:$0x3FB1]  }
0x31: {  	[smem:$0x3FBA] =	sst s10  }
0x32: {  	s10 =	sld [smem:$0x3FB8];
	_ =	sdelay $0x3  }
0x33: {  	p0 =	seq.s32 s10, $0x1;
	s10 =	sld [smem:$0x3FBA];
	_ =	sdelay $0x3  }
0x34: {  	[smem:$0x3FBA] =	sst s10  }
0x35: {  	s10 =	sld [smem:$0x3FB9];
	_ =	sdelay $0x3  }
0x36: {  	p1 =	seq.s32 s10, $0x1;
	s10 =	sld [smem:$0x3FBA];
	_ =	sdelay $0x3  }
0x37: {  	[smem:$0x3FBA] =	sst s10  }
0x38: {  	s10 =	sld [smem:$0x3FBB]  }
0x39: {  	_ = 	snop;
	(pc) =	sbr.ind lr, $3  }
0x3a: {  	_ = 	snop  }
0x3b: {  	_ = 	snop  }
0x3c: {  	p2 =	seq.s32 s10, $0x1;
	s10 =	sld [smem:$0x3FBA]  }
0x3d: {  	_ =	shalt  }
0x3e: {  	_ =	shalt  }
0x3f: {  	_ =	shalt  }
0x40: {  	_ =	shalt  }
0x41: {  	_ =	shalt  }
0x42: {  	_ =	shalt  }
0x43: {  	_ =	shalt  }
0x44: {  	_ =	shalt  }
0x45: {  	_ =	shalt  }
0x46: {  	_ =	shalt  }
0x47: {  	_ =	shalt  }
0x48: {  	_ =	shalt  }
0x49: {  	_ =	shalt  }
0x4a: {  	_ =	shalt  }
0x4b: {  	_ =	shalt  }
0x4c: {  	_ =	shalt  }
0x4d: {  	_ =	shalt  }
0x4e: {  	_ =	shalt  }
0x4f: {  	_ =	shalt  }
0x50: {  	_ =	shalt  }
0x51: {  	_ =	shalt  }
0x52: {  	_ =	shalt  }
0x53: {  	_ =	shalt  }
0x54: {  	_ =	shalt  }
0x55: {  	_ =	shalt  }
0x56: {  	_ =	shalt  }
0x57: {  	_ =	shalt  }
0x58: {  	_ =	shalt  }
0x59: {  	_ =	shalt  }
0x5a: {  	_ =	shalt  }
0x5b: {  	_ =	shalt  }
0x5c: {  	_ =	shalt  }
0x5d: {  	_ =	shalt  }
0x5e: {  	_ =	shalt  }
0x5f: {  	_ =	shalt  }
0x60: {  	_ =	shalt  }
0x61: {  	_ =	shalt  }
0x62: {  	_ =	shalt  }
0x63: {  	_ =	shalt  }
0x64: {  	_ =	shalt  }
0x65: {  	_ =	shalt  }
0x66: {  	_ =	shalt  }
0x67: {  	_ =	shalt  }
0x68: {  	_ =	shalt  }
0x69: {  	_ =	shalt  }
0x6a: {  	_ =	shalt  }
0x6b: {  	_ =	shalt  }
0x6c: {  	_ =	shalt  }
0x6d: {  	_ =	shalt  }
0x6e: {  	_ =	shalt  }
0x6f: {  	_ =	shalt  }
0x70: {  	_ =	shalt  }
0x71: {  	_ =	shalt  }
0x72: {  	_ =	shalt  }
0x73: {  	_ =	shalt  }
0x74: {  	_ =	shalt  }
0x75: {  	_ =	shalt  }
0x76: {  	_ =	shalt  }
0x77: {  	_ =	shalt  }
0x78: {  	_ =	shalt  }
0x79: {  	_ =	shalt  }
0x7a: {  	_ =	shalt  }
0x7b: {  	_ =	shalt  }
0x7c: {  	_ =	shalt  }
0x7d: {  	_ =	shalt  }
0x7e: {  	_ =	shalt  }
0x7f: {  	_ =	shalt  }
0x80: {  	_ =	shalt  }
0x81: {  	_ =	shalt  }
0x82: {  	_ =	shalt  }
0x83: {  	_ =	shalt  }
0x84: {  	_ =	shalt  }
0x85: {  	_ =	shalt  }
0x86: {  	_ =	shalt  }
0x87: {  	_ =	shalt  }
.Lfunc_end0:
.L_simem_size_0:
called_computation.1_lowered:
.L_overlay_start_0:
0x88: {  	s2 =	sld [smem:$0x3FD9]  }
0x89: {  	s3 =	sld [smem:$0x3FFE];
	_ =	sdelay $0x1  }
0x8a: {  	s1 =	srdreg.scid  }
0x8b: {  	s0 =	sand.u32 $0x1, s1  }
0x8c: {  	s17 =	sshll.u32 s0, $0xA;
	s2 =	sadd.s32 s3, s2  }
0x8d: {  	s2 =	sadd.s32 s2, s17  }
0x8e: {  	[smem:$0x3FC6] =	sst s2  }
0x8f: {  	_ = 	snop  }
0x90: {  	s2 =	sld [smem:$0x3FD0];
	(tm) =	ssettm $0x1  }
0x91: {  	s18 =	sld [smem:$0x3FFB];
	_ =	sdelay $0x3  }
0x92: {  	_ =	strace s18  }
0x93: {  	s3 =	sld [smem:$0x3FFC];
	_ =	sdelay $0x3  }
0x94: {  	_ =	strace s3  }
0x95: {  	s3 =	sld [smem:$0x3FFD];
	_ =	sdelay $0x3  }
0x96: {  	_ =	strace s3  }
0x97: {  	_ =	strace $0x8FFFFFFF  }
0x98: {  	s19 =	sld [smem:$0x3FDB];
	_ =	sdelay $0x1  }
0x99: {  	s4 =	simm.s32 $_scs_section_size  }
0x9a: {  	s5 =	simm.s32 $_size__tile_overlayer_lowered;
	s6 =	simm.s32 $_tile_overlayer_lowered  }
0x9b: {  	s22 =	simm.s32 $0x1BFF;
	s21 =	sshll.u32 s6, $0x1;
	s3 =	sadd.s32 s4, s19  }
0x9c: {  	s7 =	simm.s32 $0x0;
	s20 =	sshll.u32 s5, $0x1;
	s5 =	sadd.s32 s21, s3  }
0x9d: {  	[timem:s7], [sflag:s22] =	dma.local [hbm:s5], s20  }
0x9e: {  	_ =	swait.ge [sflag:s22], s20  }
0x9f: {  	s4 =	ssub.s32 $0x0, s20;
	[sflag:s22] =	ssyncset.done $0x0  }
0xa0: {  	[sflag:s22] =	ssyncadd.s32 s4;
	_ =	sdelay $0x1  }
0xa1: {  	s23 =	simm.s32 $0x1B8B  }
0xa2: {  	_ =	swait.ge [sflag:s23], $0x1  }
0xa3: {  	[sflag:s23] =	ssyncset.done $0x0  }
0xa4: {  	s25 =	simm.s32 $0x1B8E;
	s24 =	sld [smem:$0x3FFE];
	[sflag:s23] =	ssyncadd.s32 $0xFFFFFFFF  }
0xa5: {  	s26 =	simm.s32 $execute0_lowered;
	[smem:$0x3FD2] =	sst s25  }
0xa6: {  	s5 =	sshll.u32 s26, $0x1;
	_ =	strace $0x80000046;
	[dreg:$0x1] =	wrdreg $0xFFFFFFFF  }
0xa7: {  	s28 =	simm.s32 $_size_execute0_lowered;
	s3 =	sadd.s32 s3, s5;
	[dreg:$0x0] =	wrdreg $0x0  }
0xa8: {  	s5 =	sshll.u32 s28, $0x1;
	[dreg:$0x2] =	wrdreg s3  }
0xa9: {  	[dreg:$0x3] =	wrdreg s5  }
0xaa: {  	[dreg:$0x4] =	wrdreg $0xC0  }
0xab: {  	_ =	task [dreg:s7], $0x5FFFF  }
0xac: {  	[dreg:$0x1] =	wrdreg $0xFFFFFFFF  }
0xad: {  	[dreg:$0x0] =	wrdreg $0x60  }
0xae: {  	[dreg:$0x2] =	wrdreg s2  }
0xaf: {  	[dreg:$0x3] =	wrdreg s24  }
0xb0: {  	[dreg:$0x4] =	wrdreg $0x9  }
0xb1: {  	_ =	task.clear_ibuf [dreg:s7], $0x5FFFF;
	_ =	strace $0x90000046  }
0xb2: {  	s29 =	simm.s32 $0x9;
	_ =	strace $0x80000048  }
0xb3: {  	_ =	swait.ge [sflag:s29], $0x1  }
0xb4: {  	[sflag:s29] =	ssyncadd.s32 $0xFFFFFFFF  }
0xb5: {  	_ =	strace $0x90000048  }
0xb6: {  	_ =	sfence  }
0xb7: {  	s30 =	sld [smem:$0x0];
	_ =	sdelay $0x2  }
0xb8: {  	s31 =	sshll.u32 s1, $0xD;
	s1 =	sshrl.u32 s1, $0x2  }
0xb9: {  	s3 =	sand.u32 $0x4000, s31;
	s1 =	sadd.s32 s1, s30  }
0xba: {  	s0 =	sor.u32 s3, s0;
	s1 =	sshll.u32 s1, $0x11  }
0xbb: {  	s0 =	sor.u32 s1, s0  }
0xbc: {  	s0 =	sadd.s32 $0x8F2B, s0  }
0xbd: {  	[sflag:s0] =	ssyncadd.remote.s32 $0x1  }
0xbe: {  	_ =	sfence.sel $0xFFFF  }
0xbf: {  	[dreg:$0x0] =	wrdreg $0xFFFFFFFF;
	(pc) =	sbr.abs _section_cstart, $3  }
0xc0: {  	[dreg:$0x1] =	wrdreg $0xFFFFFFFF  }
0xc1: {  	_ =	task.clear_ibuf [dreg:s7], $0x2FFFF;
	_ =	strace $0x9FFFFFFF  }
0xc2: {  	(tm) =	ssettm $0x7FFFFFFF  }
0xc3: {  	_ =	shalt  }
tec
execute0_lowered:
.L_overlay_start_1:
0x0: {  	(tag) =	ssettag $0x1  }
0x1: {  	s4 =	rddreg [dreg:$0x0];
	s1 =	srdreg.scid  }
0x2: {  	s0 =	stileid.u32;
	s5 =	rddreg [dreg:$0x1]  }
0x3: {  	s2 =	simm.s32 $0x0;
	s13 =	simm.s32 $0x40;
	s14 =	simm.s32 $0x100  }
0x4: {  	s15 =	simm.s32 $0xE400;
	s16 =	simm.s32 $0x140;
	s17 =	simm.s32 $0x10400  }
0x5: {  	s18 =	simm.s32 $0x1C0;
	s19 =	simm.s32 $0x14400;
	s20 =	simm.s32 $0x240  }
0x6: {  	s21 =	simm.s32 $0x18400;
	s22 =	simm.s32 $0x2;
	s23 =	simm.s32 $0x4  }
0x7: {  	s24 =	simm.s32 $0x3;
	s25 =	simm.s32 $0x5;
	s6 =	sand.u32 $0x1, s1  }
0x8: {  	s3 =	sshll.u32 s0, $0x1;
	s1 =	rddreg [dreg:$0x2];
	s12 =	smul.u32 $0xC8000, s0  }
0x9: {  	s7 =	sor.u32 s6, s3;
	s10 =	ssub.s32 $0x2, s6;
	s6 =	smul.u32 $0x64000, s6  }
0xa: {  	s26 =	simm.s32 $0x0;
	[smem:$0x7FF] =	sst s2;
	s8 =	smul.u32 $0x6400, s7  }
0xb: {  	s11 =	sadd.s32 $0xA00, s5;
	_ =	strace $0x80000047;
	s9 =	smul.u32 $0x64000, s7  }
0xc: {  	s3 =	sadd.s32 $0xF42E00, s5;
	s7 =	smul.u32 $0x320000, s7;
	s29 =	sshrl.u32 s10, $0x1  }
0xd: {  	s31 =	sadd.s32 s12, s11;
	s12 =	simm.s32 $0xA400;
	s10 =	ssub.s32 s10, s29  }
0xe: {  	s30 =	sshrl.u32 s8, $0x3;
	s7 =	sshrl.u32 s7, $0x3;
	s5 =	sadd.s32 s11, s9  }
0xf: {  	s8 =	sadd.s32 s6, s31;
	s9 =	simm.s32 $0x1;
	s4 =	sadd.s32 s4, s30  }
0x10: {  	s7 =	sadd.s32 s11, s7;
	s8 =	sadd.s32 $0x1400, s8;
	s11 =	simm.s32 $0x6400  }
0x11: {  	s6 =	sadd.s32 $0x62C00, s7;
	s7 =	smax.u32 s10, $0x1;
	s10 =	simm.s32 $0x80  }
.LBB2_1:
0x12: {  	[tilespmem:s2], [sflag:$0x1] =	stream.linear.gather [hbm4b:s4+s2], $0x6400, $0x38;
	[tilespmem:$0x1A400] =	vst v63  }
0x13: {  	_ =	swait.ge [sflag:s9], $0x6400  }
0x14: {  	[sflag:s9] =	ssyncset.done $0x0  }
0x15: {  	[sflag:s9] =	ssyncadd.s32 $0xFFFF9C00  }
0x16: {  	[tilespmem:s11], [sflag:$0x2] =	stream.indirect.gather [hbm4b:s3+s10], $0x80, s2, s10, $0xb8;
	[tilespmem:$0x1A400] =	vst v63  }
0x17: {  	_ = 	snop  }
0x18: {  	[tilespmem:s12], [sflag:$0x2] =	stream.indirect.gather [hbm4b:s3+s10], $0x80, s10, s10, $0xb8;
	[tilespmem:$0x1A400] =	vst v63  }
0x19: {  	_ = 	snop  }
0x1a: {  	[tilespmem:s15], [sflag:$0x2] =	stream.indirect.gather [hbm4b:s3+s13], $0x80, s14, s13, $0xb8;
	[tilespmem:$0x1A400] =	vst v63  }
0x1b: {  	_ = 	snop  }
0x1c: {  	[tilespmem:s17], [sflag:$0x3] =	stream.indirect.gather [hbm4b:s3+s10], $0x80, s16, s10, $0xb8;
	[tilespmem:$0x1A400] =	vst v63  }
0x1d: {  	_ = 	snop  }
0x1e: {  	[tilespmem:s19], [sflag:$0x3] =	stream.indirect.gather [hbm4b:s3+s10], $0x80, s18, s10, $0xb8;
	[tilespmem:$0x1A400] =	vst v63  }
0x1f: {  	_ = 	snop  }
0x20: {  	[tilespmem:s21], [sflag:$0x3] =	stream.indirect.gather [hbm4b:s3+s13], $0x80, s20, s13, $0xb8;
	[tilespmem:$0x1A400] =	vst v63  }
0x21: {  	_ =	swait.ge [sflag:s22], $0x4000  }
0x22: {  	[sflag:s22] =	ssyncset.done $0x0  }
0x23: {  	[sflag:s22] =	ssyncadd.s32 $0xFFFFC000  }
0x24: {  	_ =	swait.ge [sflag:s22], $0x4000  }
0x25: {  	[sflag:s22] =	ssyncset.done $0x0  }
0x26: {  	[sflag:s22] =	ssyncadd.s32 $0xFFFFC000  }
0x27: {  	_ =	swait.ge [sflag:s22], $0x2000  }
0x28: {  	[sflag:s22] =	ssyncset.done $0x0  }
0x29: {  	[sflag:s22] =	ssyncadd.s32 $0xFFFFE000  }
0x2a: {  	[hbm4b:s5+s2] =	stream.linear.scatter [tilespmem:s11], [sflag:$0x4], $0xA000, $0x38;
	[tilespmem:$0x1A400] =	vst v63  }
0x2b: {  	_ =	swait.ge [sflag:s23], $0xA000  }
0x2c: {  	[sflag:s23] =	ssyncset.done $0x0  }
0x2d: {  	s28 =	simm.s32 $0x280;
	[sflag:s23] =	ssyncadd.s32 $0xFFFF6000  }
0x2e: {  	[tilespmem:s11], [sflag:$0x2] =	stream.indirect.gather [hbm4b:s3+s10], $0x80, s28, s10, $0xb8;
	[tilespmem:$0x1A400] =	vst v63  }
0x2f: {  	s28 =	simm.s32 $0x300  }
0x30: {  	[tilespmem:s12], [sflag:$0x2] =	stream.indirect.gather [hbm4b:s3+s10], $0x80, s28, s10, $0xb8;
	[tilespmem:$0x1A400] =	vst v63  }
0x31: {  	s28 =	simm.s32 $0x380  }
0x32: {  	[tilespmem:s15], [sflag:$0x2] =	stream.indirect.gather [hbm4b:s3+s13], $0x80, s28, s13, $0xb8;
	[tilespmem:$0x1A400] =	vst v63  }
0x33: {  	_ =	swait.ge [sflag:s24], $0x4000  }
0x34: {  	[sflag:s24] =	ssyncset.done $0x0  }
0x35: {  	[sflag:s24] =	ssyncadd.s32 $0xFFFFC000  }
0x36: {  	_ =	swait.ge [sflag:s24], $0x4000  }
0x37: {  	[sflag:s24] =	ssyncset.done $0x0  }
0x38: {  	[sflag:s24] =	ssyncadd.s32 $0xFFFFC000  }
0x39: {  	_ =	swait.ge [sflag:s24], $0x2000  }
0x3a: {  	[sflag:s24] =	ssyncset.done $0x0  }
0x3b: {  	[sflag:s24] =	ssyncadd.s32 $0xFFFFE000  }
0x3c: {  	[hbm4b:s8+s2] =	stream.linear.scatter [tilespmem:s17], [sflag:$0x5], $0xA000, $0x38;
	[tilespmem:$0x1A400] =	vst v63  }
0x3d: {  	_ =	swait.ge [sflag:s25], $0xA000  }
0x3e: {  	[sflag:s25] =	ssyncset.done $0x0  }
0x3f: {  	s28 =	simm.s32 $0x3C0;
	[sflag:s25] =	ssyncadd.s32 $0xFFFF6000  }
0x40: {  	[tilespmem:s17], [sflag:$0x3] =	stream.indirect.gather [hbm4b:s3+s10], $0x80, s28, s10, $0xb8;
	[tilespmem:$0x1A400] =	vst v63  }
0x41: {  	s28 =	simm.s32 $0x440  }
0x42: {  	[tilespmem:s19], [sflag:$0x3] =	stream.indirect.gather [hbm4b:s3+s10], $0x80, s28, s10, $0xb8;
	[tilespmem:$0x1A400] =	vst v63  }
0x43: {  	s28 =	simm.s32 $0x4C0  }
0x44: {  	[tilespmem:s21], [sflag:$0x3] =	stream.indirect.gather [hbm4b:s3+s13], $0x80, s28, s13, $0xb8;
	[tilespmem:$0x1A400] =	vst v63  }
0x45: {  	_ =	swait.ge [sflag:s22], $0x4000  }
0x46: {  	[sflag:s22] =	ssyncset.done $0x0  }
0x47: {  	[sflag:s22] =	ssyncadd.s32 $0xFFFFC000  }
0x48: {  	_ =	swait.ge [sflag:s22], $0x4000  }
0x49: {  	[sflag:s22] =	ssyncset.done $0x0  }
0x4a: {  	[sflag:s22] =	ssyncadd.s32 $0xFFFFC000  }
0x4b: {  	_ =	swait.ge [sflag:s22], $0x2000  }
0x4c: {  	s30 =	sadd.s32 $0x1400, s8;
	[sflag:s22] =	ssyncset.done $0x0  }
0x4d: {  	s29 =	sadd.s32 $0x2800, s8;
	s28 =	simm.s32 $0xA00;
	[sflag:s22] =	ssyncadd.s32 $0xFFFFE000  }
.LBB2_2:
0x4e: {  	[hbm4b:s30+s2] =	stream.linear.scatter [tilespmem:s11], [sflag:$0x4], $0xA000, $0x38;
	[tilespmem:$0x1A400] =	vst v63  }
0x4f: {  	s30 =	smov.u32 s28  }
0x50: {  	p0 =	sne.s32 s28, $0x17C00;
	s28 =	sadd.s32 $0xA00, s28;
	_ =	swait.ge [sflag:s23], $0xA000  }
0x51: {  	s30 =	sshra.s32 s30, $0x2;
	[sflag:s23] =	ssyncset.done $0x0  }
0x52: {  	s31 =	sadd.s32 $0x280, s30;
	[sflag:s23] =	ssyncadd.s32 $0xFFFF6000  }
0x53: {  	[tilespmem:s11], [sflag:$0x2] =	stream.indirect.gather [hbm4b:s3+s10], $0x80, s31, s10, $0xb8;
	[tilespmem:$0x1A400] =	vst v63  }
0x54: {  	s31 =	sadd.s32 $0x300, s30  }
0x55: {  	[tilespmem:s12], [sflag:$0x2] =	stream.indirect.gather [hbm4b:s3+s10], $0x80, s31, s10, $0xb8;
	[tilespmem:$0x1A400] =	vst v63  }
0x56: {  	s31 =	sadd.s32 $0x380, s30  }
0x57: {  	[tilespmem:s15], [sflag:$0x2] =	stream.indirect.gather [hbm4b:s3+s13], $0x80, s31, s13, $0xb8;
	[tilespmem:$0x1A400] =	vst v63  }
0x58: {  	_ =	swait.ge [sflag:s24], $0x4000  }
0x59: {  	[sflag:s24] =	ssyncset.done $0x0  }
0x5a: {  	[sflag:s24] =	ssyncadd.s32 $0xFFFFC000  }
0x5b: {  	_ =	swait.ge [sflag:s24], $0x4000  }
0x5c: {  	[sflag:s24] =	ssyncset.done $0x0  }
0x5d: {  	[sflag:s24] =	ssyncadd.s32 $0xFFFFC000  }
0x5e: {  	_ =	swait.ge [sflag:s24], $0x2000  }
0x5f: {  	[sflag:s24] =	ssyncset.done $0x0  }
0x60: {  	[sflag:s24] =	ssyncadd.s32 $0xFFFFE000  }
0x61: {  	[hbm4b:s29+s2] =	stream.linear.scatter [tilespmem:s17], [sflag:$0x5], $0xA000, $0x38;
	[tilespmem:$0x1A400] =	vst v63  }
0x62: {  	_ =	swait.ge [sflag:s25], $0xA000  }
0x63: {  	[sflag:s25] =	ssyncset.done $0x0  }
0x64: {  	s31 =	sadd.s32 $0x3C0, s30;
	[sflag:s25] =	ssyncadd.s32 $0xFFFF6000  }
0x65: {  	[tilespmem:s17], [sflag:$0x3] =	stream.indirect.gather [hbm4b:s3+s10], $0x80, s31, s10, $0xb8;
	[tilespmem:$0x1A400] =	vst v63  }
0x66: {  	s31 =	sadd.s32 $0x440, s30  }
0x67: {  	[tilespmem:s19], [sflag:$0x3] =	stream.indirect.gather [hbm4b:s3+s10], $0x80, s31, s10, $0xb8;
	[tilespmem:$0x1A400] =	vst v63  }
0x68: {  	s30 =	sadd.s32 $0x4C0, s30  }
0x69: {  	[tilespmem:s21], [sflag:$0x3] =	stream.indirect.gather [hbm4b:s3+s13], $0x80, s30, s13, $0xb8;
	[tilespmem:$0x1A400] =	vst v63  }
0x6a: {  	_ =	swait.ge [sflag:s22], $0x4000  }
0x6b: {  	[sflag:s22] =	ssyncset.done $0x0  }
0x6c: {  	[sflag:s22] =	ssyncadd.s32 $0xFFFFC000  }
0x6d: {  	_ =	swait.ge [sflag:s22], $0x4000  }
.Ltmp0:
0x6e: {  	[sflag:s22] =	ssyncset.done $0x0;
	(pc) =	sbr.rel @p0 .LBB2_2-.Ltmp0, $4  }
0x6f: {  	[sflag:s22] =	ssyncadd.s32 $0xFFFFC000  }
0x70: {  	_ =	swait.ge [sflag:s22], $0x2000  }
0x71: {  	[sflag:s22] =	ssyncset.done $0x0  }
0x72: {  	s30 =	sadd.s32 $0x1400, s29;
	s29 =	sadd.s32 $0x2800, s29;
	[sflag:s22] =	ssyncadd.s32 $0xFFFFE000  }
0x73: {  	[hbm4b:s30+s2] =	stream.linear.scatter [tilespmem:s11], [sflag:$0x4], $0xA000, $0x38;
	[tilespmem:$0x1A400] =	vst v63  }
0x74: {  	_ =	swait.ge [sflag:s23], $0xA000  }
0x75: {  	[sflag:s23] =	ssyncset.done $0x0  }
0x76: {  	[sflag:s23] =	ssyncadd.s32 $0xFFFF6000  }
0x77: {  	_ =	swait.ge [sflag:s24], $0x4000  }
0x78: {  	[sflag:s24] =	ssyncset.done $0x0  }
0x79: {  	[sflag:s24] =	ssyncadd.s32 $0xFFFFC000  }
0x7a: {  	_ =	swait.ge [sflag:s24], $0x4000  }
0x7b: {  	[sflag:s24] =	ssyncset.done $0x0  }
0x7c: {  	[sflag:s24] =	ssyncadd.s32 $0xFFFFC000  }
0x7d: {  	s26 =	sadd.s32 $0x1, s26;
	_ =	swait.ge [sflag:s24], $0x2000  }
0x7e: {  	p0 =	sne.s32 s26, s7;
	[sflag:s24] =	ssyncset.done $0x0  }
.Ltmp1:
0x7f: {  	[sflag:s24] =	ssyncadd.s32 $0xFFFFE000;
	(pc) =	sbr.rel @p0 .LBB2_1-.Ltmp1, $4  }
0x80: {  	[hbm4b:s6+s2] =	stream.linear.scatter [tilespmem:s17], [sflag:$0x5], $0xA000, $0x38;
	[tilespmem:$0x1A400] =	vst v63  }
0x81: {  	_ =	swait.ge [sflag:s25], $0xA000  }
0x82: {  	[sflag:s25] =	ssyncset.done $0x0  }
0x83: {  	[sflag:s25] =	ssyncadd.s32 $0xFFFF6000  }
0x84: {  	_ =	sfence.sel $0x180000  }
0x85: {  	[bflag:$0x0] =	sbarrier.arrive $0xFFFF  }
0x86: {  	p0 =	sne.s32 s0, $0x0;
	_ =	strace $0x90000047  }
0x87: {  	s0 =	sadd.s32 @!p0 $0x100000, s1;
	[bflag:$0x2] =	sbarrier.arrive $0xFFFF  }
0x88: {  	[sflag:s0] =	ssyncadd.tile.s32 @!p0 $0x1;
	_ =	shalt  }
.Lfunc_end2:
_tile_overlayer_lowered:
.L_overlay_start_2:
0x89: {  	(tag) =	ssettag $0x2  }
0x8a: {  	s0 =	rddreg [dreg:$0x0];
	s2 =	stileid.u32  }
0x8b: {  	s1 =	rddreg [dreg:$0x1];
	p0 =	sne.s32 s2, $0x0  }
0x8c: {  	s3 =	rddreg [dreg:$0x2];
	[bflag:$0x3] =	sbarrier.arrive $0xFFFF;
	s2 =	simm.s32 @!p0 $0x1C06  }
0x8d: {  	[timem:s3], [sflag:s2] =	dma.local @!p0 [hbm:s0], s1  }
0x8e: {  	s0 =	simm.s32 @!p0 $0x6  }
0x8f: {  	_ =	swait.ge @!p0 [sflag:s0], s1  }
0x90: {  	s1 =	ssub.s32 @!p0 $0x0, s1;
	[sflag:s0] =	ssyncset.done @!p0 $0x0  }
0x91: {  	[sflag:s0] =	ssyncadd.s32 @!p0 s1  }
0x92: {  	[bflag:$0x3] =	sbarrier.arrive $0xFFFF  }
0x93: {  	_ =	shalt  }

// kernel: sparse-core-data-format-call.cloned.1.call-start
scs
called_computation_lowered:
.L_overlay_start_0:
0x0: {  	s2 =	sld [smem:$0x3FD9]  }
0x1: {  	s3 =	sld [smem:$0x3FFE];
	_ =	sdelay $0x1  }
0x2: {  	s1 =	srdreg.scid  }
0x3: {  	s0 =	sand.u32 $0x1, s1  }
0x4: {  	s18 =	sshll.u32 s0, $0xA;
	s2 =	sadd.s32 s3, s2  }
0x5: {  	s2 =	sadd.s32 s2, s18  }
0x6: {  	[smem:$0x3FC6] =	sst s2  }
0x7: {  	_ = 	snop  }
0x8: {  	s2 =	sld [smem:$0x3FD0];
	(tm) =	ssettm $0x1  }
0x9: {  	s19 =	sld [smem:$0x3FFB];
	_ =	sdelay $0x3  }
0xa: {  	_ =	strace s19  }
0xb: {  	s3 =	sld [smem:$0x3FFC];
	_ =	sdelay $0x3  }
0xc: {  	_ =	strace s3  }
0xd: {  	s3 =	sld [smem:$0x3FFD];
	_ =	sdelay $0x3  }
0xe: {  	_ =	strace s3  }
0xf: {  	_ =	strace $0x8FFFFFFF  }
0x10: {  	s20 =	sld [smem:$0x3FDB];
	_ =	sdelay $0x1  }
0x11: {  	s4 =	simm.s32 $_scs_section_size  }
0x12: {  	s5 =	simm.s32 $_size__tile_overlayer_lowered;
	s6 =	simm.s32 $_tile_overlayer_lowered  }
0x13: {  	s23 =	simm.s32 $0x1BFF;
	s22 =	sshll.u32 s6, $0x1;
	s3 =	sadd.s32 s4, s20  }
0x14: {  	s7 =	simm.s32 $0x0;
	s21 =	sshll.u32 s5, $0x1;
	s5 =	sadd.s32 s22, s3  }
0x15: {  	[timem:s7], [sflag:s23] =	dma.local [hbm:s5], s21  }
0x16: {  	_ =	swait.ge [sflag:s23], s21  }
0x17: {  	s4 =	ssub.s32 $0x0, s21;
	[sflag:s23] =	ssyncset.done $0x0  }
0x18: {  	[sflag:s23] =	ssyncadd.s32 s4;
	_ =	sdelay $0x1  }
0x19: {  	s24 =	simm.s32 $0x1B8B  }
0x1a: {  	_ =	swait.ge [sflag:s24], $0x1  }
0x1b: {  	[sflag:s24] =	ssyncset.done $0x0  }
0x1c: {  	s26 =	simm.s32 $0x1B8E;
	s25 =	sld [smem:$0x3FFE];
	[sflag:s24] =	ssyncadd.s32 $0xFFFFFFFF  }
0x1d: {  	s27 =	simm.s32 $execute0_lowered;
	[smem:$0x3FD2] =	sst s26  }
0x1e: {  	s5 =	sshll.u32 s27, $0x1;
	_ =	strace $0x80000049;
	[dreg:$0x1] =	wrdreg $0xFFFFFFFF  }
0x1f: {  	s28 =	simm.s32 $_size_execute0_lowered;
	s3 =	sadd.s32 s3, s5;
	[dreg:$0x0] =	wrdreg $0x0  }
0x20: {  	s5 =	sshll.u32 s28, $0x1;
	[dreg:$0x2] =	wrdreg s3  }
0x21: {  	[dreg:$0x3] =	wrdreg s5  }
0x22: {  	[dreg:$0x4] =	wrdreg $0xC0  }
0x23: {  	_ =	task [dreg:s7], $0x5FFFF  }
0x24: {  	[dreg:$0x1] =	wrdreg $0xFFFFFFFF  }
0x25: {  	[dreg:$0x0] =	wrdreg $0x60  }
0x26: {  	[dreg:$0x2] =	wrdreg s25  }
0x27: {  	[dreg:$0x3] =	wrdreg s2  }
0x28: {  	[dreg:$0x4] =	wrdreg $0x9  }
0x29: {  	_ =	task.clear_ibuf [dreg:s7], $0x5FFFF;
	_ =	strace $0x90000049  }
0x2a: {  	s29 =	simm.s32 $0x9;
	_ =	strace $0x8000004B  }
0x2b: {  	_ =	swait.ge [sflag:s29], $0x1  }
0x2c: {  	[sflag:s29] =	ssyncadd.s32 $0xFFFFFFFF  }
0x2d: {  	_ =	strace $0x9000004B  }
0x2e: {  	_ =	sfence  }
0x2f: {  	s30 =	sld [smem:$0x0];
	_ =	sdelay $0x2  }
0x30: {  	s31 =	sshll.u32 s1, $0xD;
	s1 =	sshrl.u32 s1, $0x2  }
0x31: {  	s3 =	sand.u32 $0x4000, s31;
	s1 =	sadd.s32 s1, s30  }
0x32: {  	s0 =	sor.u32 s3, s0;
	s1 =	sshll.u32 s1, $0x11  }
0x33: {  	s0 =	sor.u32 s1, s0  }
0x34: {  	s0 =	sadd.s32 $0x8F2B, s0  }
0x35: {  	[sflag:s0] =	ssyncadd.remote.s32 $0x1  }
0x36: {  	_ =	sfence.sel $0xFFFF  }
0x37: {  	[dreg:$0x0] =	wrdreg $0xFFFFFFFF;
	(pc) =	sbr.abs _section_cstart, $3  }
0x38: {  	[dreg:$0x1] =	wrdreg $0xFFFFFFFF  }
0x39: {  	_ =	task.clear_ibuf [dreg:s7], $0x2FFFF;
	_ =	strace $0x9FFFFFFF  }
0x3a: {  	(tm) =	ssettm $0x7FFFFFFF  }
0x3b: {  	_ =	shalt  }
tec
execute0_lowered:
.L_overlay_start_1:
0x0: {  	(tag) =	ssettag $0x1  }
0x1: {  	s0 =	srdreg.scid  }
0x2: {  	s1 =	sshll.u32 s0, $0x4  }
0x3: {  	s0 =	stileid.u32;
	s1 =	sand.u32 $0x10, s1  }
0x4: {  	s1 =	sor.u32 s0, s1  }
0x5: {  	s6 =	rddreg [dreg:$0x0];
	s4 =	simm.s32 $0x1;
	s2 =	sshll.u32 s1, $0x7  }
0x6: {  	s7 =	simm.s32 $0x2;
	s12 =	simm.s32 $0x0;
	s1 =	ssub.s32 $0x1000, s2  }
0x7: {  	s8 =	simm.s32 $0x8000;
	s13 =	simm.s32 $0x0;
	s3 =	sand.u32 $0xF80, s1  }
0x8: {  	s9 =	simm.s32 $0x0;
	s5 =	sshrl.u32 s1, $0xC;
	p0 =	sne.s32 s3, $0x0  }
.Ltmp0:
0x9: {  	s1 =	rddreg [dreg:$0x2];
	s4 =	simm.s32 @!p0 $0x0;
	(pc) =	sbr.rel .LBB1_1-.Ltmp0, $4  }
0xa: {  	s11 =	simm.s32 $0x0;
	s3 =	rddreg [dreg:$0x1];
	s5 =	sadd.s32 s4, s5  }
0xb: {  	_ =	strace $0x8000004A;
	s4 =	simm.s32 $0x1;
	s5 =	smul.u32 $0xC8, s5  }
0xc: {  	s6 =	sadd.s32 $0xA00, s6;
	s10 =	smov.u32 s2;
	[sflag:s4] =	ssyncpa.u1 $0x0  }
0xd: {  	p0 =	por $0x0, $0x0;
	[sflag:s7] =	ssyncpa.u1 $0x0;
	s7 =	sor.u32 $0x1, s5  }
.LBB1_4:
0xe: {  	s16 =	sshll.u32 s13, $0x3;
	s17 =	sand.u32 $0x78, s13  }
0xf: {  	s30 =	sand.u32 $0x7E00, s13;
	s12 =	sshll.u32 s12, $0xF;
	s16 =	sand.u32 $0xC00, s16  }
0x10: {  	[tilespmem:s15+$0x810 ss:$0x81] =	vst.msk $0xffff, v2;
	s31 =	sand.u32 $0x7, s13;
	s16 =	sor.u32 s17, s16;
	s17 =	sadd.s32 s3, s30  }
0x11: {  	[tilespmem:s15+$0x1020 ss:$0x81] =	vst.msk $0xffff, v0;
	s13 =	sshll.u32 s31, $0x12;
	s12 =	sadd.s32 s12, s17;
	s16 =	sshrl.u32 s16, $0x3  }
0x12: {  	[tilespmem:s15+$0x0 ss:$0x81] =	vst.msk $0xffff, v1;
	s13 =	sor.u32 $0x400, s13;
	s12 =	sadd.s32 s16, s12  }
0x13: {  	[hbm4b:s12+s13] =	stream.strided.scatter [tilespmem:s14], [sflag:$0x2], $0x2000, s8, s13, $0x20;
	[tilespmem:$0x8080] =	vst v63  }
.LBB1_5:
0x14: {  	s14 =	sadd.s32 $0x1, s9  }
0x15: {  	s12 =	sadd.s32 $0x1000, s10;
	s16 =	smov.u32 s10;
	p2 =	sgt.s32 s14, $0xC7  }
0x16: {  	s16 =	smov.u32 @p2 s12  }
0x17: {  	s14 =	simm.s32 @p2 $0x0;
	p2 =	sgt.s32 s16, $0xFFF  }
0x18: {  	s16 =	smov.u32 @p2 s2;
	p2 =	sne.s32 s11, s7  }
.Ltmp1:
0x19: {  	p1 =	slt.u32 s11, $0x2;
	(pc) =	sbr.rel @!p2 .LBB1_6-.Ltmp1, $4  }
0x1a: {  	s15 =	simm.s32 @!p1 $0x2  }
0x1b: {  	s13 =	smov.u32 s10;
	p0 =	por !p0, !p0;
	_ =	swait.ge @!p1 [sflag:s15], $0x2000  }
0x1c: {  	s12 =	smov.u32 s9;
	[sflag:s15] =	ssyncset.done @!p1 $0x0;
	s9 =	smov.u32 s14  }
0x1d: {  	s11 =	sadd.s32 $0x1, s11;
	[sflag:s15] =	ssyncadd.s32 @!p1 $0xFFFFE000;
	s10 =	smov.u32 s16  }
.LBB1_1:
0x1e: {  	p1 =	sge.u32 s11, s5  }
0x1f: {  	s14 =	sand.u32 @!p1 $0x1FFFFFF, s9  }
0x20: {  	s15 =	smulhi.u32 @!p1 $0x147AE15, s14;
	_ =	sdelay $0x1  }
0x21: {  	s15 =	smul.u32 @!p1 $0xC8, s15  }
0x22: {  	s16 =	sxor.u32 @!p1 $0xFFFFFFFF, s11;
	s17 =	smul.u32 @!p1 $0xC80, s10  }
0x23: {  	s31 =	sadd.s32 $0xFFFFFFFF, s11;
	s16 =	sshll.u32 @!p1 s16, $0xD;
	s14 =	ssub.s32 @!p1 s14, s15  }
0x24: {  	s15 =	sand.u32 @!p1 $0x2000, s16;
	s16 =	sadd.s32 @!p1 s6, s17;
	s14 =	sshll.u32 @!p1 s14, $0x4  }
0x25: {  	s17 =	simm.s32 @!p1 $0x6400;
	s14 =	sadd.s32 @!p1 s14, s16;
	s16 =	simm.s32 @!p1 $0x40  }
0x26: {  	[tilespmem:s15], [sflag:$0x1] =	stream.strided.gather @!p1 [hbm4b:s14+s16], $0x2000, s17, s16, $0x38;
	[tilespmem:$0x8080] =	vst v63  }
0x27: {  	p1 =	sge.u32 s31, s5  }
.Ltmp2:
0x28: {  	_ = 	snop;
	(pc) =	sbr.rel @p1 .LBB1_5-.Ltmp2, $1  }
0x29: {  	_ =	sdelay $0x3  }
0x2a: {  	s14 =	simm.s32 $0x1  }
0x2b: {  	_ =	swait.ge [sflag:s4], $0x2000;
	s14 =	simm.s32 @!p0 $0x0  }
0x2c: {  	[sflag:s4] =	ssyncset.done $0x0;
	s15 =	sshll.u32 s14, $0xD  }
0x2d: {  	[sflag:s4] =	ssyncadd.s32 $0xFFFFE000;
	s18 =	sor.u32 $0x20, s15  }
0x2e: {  	s14 =	smul.u32 $0x8100, s14;
	v3 =	vld [tilespmem:s18+$0x10]  }
0x2f: {  	s30 =	sand.u32 $0x1, s11;
	v2 =	vld [tilespmem:s18+$0xFFFFFFF0]  }
0x30: {  	s15 =	smul.u32 $0x8100, s30;
	s14 =	sshrl.u32 s14, $0x2;
	v0 =	vld [tilespmem:s18+$0x0]  }
0x31: {  	v1 =	vld [tilespmem:s18+$0xFFFFFFE0];
	s16 =	sor.u32 $0x4000, s14  }
0x32: {  	s31 =	sshrl.u32 s15, $0x2;
	s15 =	sadd.s32 $0x0, s16  }
0x33: {  	s17 =	simm.s32 $0x4;
	s18 =	sadd.s32 $0x40, s18;
	s14 =	sor.u32 $0x4000, s31;
	[tilespmem:s15+$0x1830 ss:$0x81] =	vst.msk $0xffff, v3  }
.LBB1_3:
0x34: {  	v3 =	vld [tilespmem:s18+$0x10];
	p1 =	sne.s32 s17, $0x1FC;
	[tilespmem:s15+$0x810 ss:$0x81] =	vst.msk $0xffff, v2;
	s19 =	smov.u32 s17;
	s17 =	sadd.s32 $0x4, s17  }
.Ltmp3:
0x35: {  	v2 =	vld [tilespmem:s18+$0xFFFFFFF0];
	[tilespmem:s15+$0x1020 ss:$0x81] =	vst.msk $0xffff, v0;
	(pc) =	sbr.rel @p1 .LBB1_3-.Ltmp3, $4  }
0x36: {  	v0 =	vld [tilespmem:s18+$0x0];
	[tilespmem:s15+$0x0 ss:$0x81] =	vst.msk $0xffff, v1  }
0x37: {  	s15 =	sshra.s32 s19, $0x2;
	v1 =	vld [tilespmem:s18+$0xFFFFFFE0]  }
0x38: {  	s15 =	sadd.s32 s15, s16  }
0x39: {  	s18 =	sadd.s32 $0x40, s18;
	[tilespmem:s15+$0x1830 ss:$0x81] =	vst.msk $0xffff, v3  }
.Ltmp4:
0x3a: {  	_ = 	snop;
	(pc) =	sbr.rel .LBB1_4-.Ltmp4, $1  }
0x3b: {  	_ =	sdelay $0x3  }
.LBB1_6:
0x3c: {  	_ =	sfence.sel $0x180000  }
0x3d: {  	s2 =	simm.s32 $0x1;
	[bflag:$0x0] =	sbarrier.arrive $0xFFFF  }
0x3e: {  	s31 =	simm.s32 $0x2;
	[sflag:s2] =	ssyncpa.u1 $0x1  }
0x3f: {  	[sflag:s31] =	ssyncpa.u1 $0x1  }
0x40: {  	p0 =	sne.s32 s0, $0x0;
	_ =	strace $0x9000004A  }
0x41: {  	s0 =	sadd.s32 @!p0 $0x100000, s1;
	[bflag:$0x2] =	sbarrier.arrive $0xFFFF  }
0x42: {  	[sflag:s0] =	ssyncadd.tile.s32 @!p0 $0x1;
	_ =	shalt  }
.Lfunc_end1:
_tile_overlayer_lowered:
.L_overlay_start_2:
0x43: {  	(tag) =	ssettag $0x2  }
0x44: {  	s0 =	rddreg [dreg:$0x0];
	s2 =	stileid.u32  }
0x45: {  	s1 =	rddreg [dreg:$0x1];
	p0 =	sne.s32 s2, $0x0  }
0x46: {  	s3 =	rddreg [dreg:$0x2];
	[bflag:$0x3] =	sbarrier.arrive $0xFFFF;
	s2 =	simm.s32 @!p0 $0x1C01  }
0x47: {  	[timem:s3], [sflag:s2] =	dma.local @!p0 [hbm:s0], s1  }
0x48: {  	s0 =	simm.s32 @!p0 $0x1  }
0x49: {  	_ =	swait.ge @!p0 [sflag:s0], s1  }
0x4a: {  	s1 =	ssub.s32 @!p0 $0x0, s1;
	[sflag:s0] =	ssyncset.done @!p0 $0x0  }
0x4b: {  	[sflag:s0] =	ssyncadd.s32 @!p0 s1  }
0x4c: {  	[bflag:$0x3] =	sbarrier.arrive $0xFFFF  }
0x4d: {  	_ =	shalt  }

</sc_bundles>
